<compile_context>
chip_gen: v7x
topology: tpu7x:2x2x1
jax: 0.10.2.dev20260603
libtpu: 0.0.44.dev20260713+nightly
codegen_flags: <defaults>
</compile_context>

<pallas_src>
import functools

import jax
import jax.numpy as jnp
from jax import lax
from jax.experimental import pallas as pl
from jax.experimental.pallas import tpu as pltpu
from jax.experimental.pallas import tpu_sc as plsc

N = 10000
E = 320000
D = 128
NC = 2
NS = 16
NW = NC * NS
PW = E // NW
C = 80
CH = PW // C
STRIPE = N // NS

_MESH = plsc.VectorSubcoreMesh(core_axis_name="c", subcore_axis_name="s")


def _deg_body(dst_hbm, zrows_hbm, ones_hbm, out_hbm, dst_blk, ones_v, acc):
    c = lax.axis_index("c")
    s = lax.axis_index("s")
    wid = c * NS + s

    pltpu.sync_copy(zrows_hbm, acc.at[pl.ds(s * STRIPE, STRIPE)])
    pltpu.sync_copy(dst_hbm.at[wid], dst_blk)
    pltpu.sync_copy(ones_hbm, ones_v)
    plsc.subcore_barrier()

    def body(j, _):
        pltpu.sync_copy(ones_v, acc.at[dst_blk.at[j]], add=True)
        return 0

    lax.fori_loop(0, CH, body, 0)
    plsc.subcore_barrier()

    pltpu.sync_copy(acc.at[pl.ds(s * STRIPE, STRIPE)], out_hbm.at[wid])


_deg_call = pl.kernel(
    _deg_body,
    out_type=jax.ShapeDtypeStruct((NW, STRIPE, D), jnp.float32),
    mesh=_MESH,
    scratch_types=[
        pltpu.VMEM((CH, C), jnp.int32),
        pltpu.VMEM((C, D), jnp.float32),
        pltpu.VMEM_SHARED((N, D), jnp.float32),
    ],
)


NBUF = 2


def _edge_body(table_hbm, src_hbm, dst_hbm, zrows_hbm, out_hbm,
               src_blk, dst_blk, r0, r1, s0, s1, acc):
    c = lax.axis_index("c")
    s = lax.axis_index("s")
    wid = c * NS + s
    rows = [r0, r1]
    sems = [s0, s1]

    pltpu.sync_copy(zrows_hbm, acc.at[pl.ds(s * STRIPE, STRIPE)])
    pltpu.sync_copy(src_hbm.at[wid], src_blk)
    pltpu.sync_copy(dst_hbm.at[wid], dst_blk)
    plsc.subcore_barrier()

    for b in range(NBUF):
        pltpu.async_copy(
            table_hbm.at[src_blk.at[pl.ds(b * C, C)]], rows[b], sems[b])

    def body(g, _):
        j0 = g * NBUF
        for b in range(NBUF):
            j = j0 + b
            pltpu.make_async_copy(
                table_hbm.at[src_blk.at[pl.ds(j * C, C)]],
                rows[b], sems[b]).wait()
            pltpu.sync_copy(rows[b], acc.at[dst_blk.at[j]], add=True)

            @pl.when(j + NBUF < CH)
            def _():
                pltpu.async_copy(
                    table_hbm.at[src_blk.at[pl.ds((j + NBUF) * C, C)]],
                    rows[b], sems[b])
        return 0

    lax.fori_loop(0, CH // NBUF, body, 0)
    for j in range((CH // NBUF) * NBUF, CH):
        b = j % NBUF
        pltpu.make_async_copy(
            table_hbm.at[src_blk.at[pl.ds(j * C, C)]], rows[b], sems[b]).wait()
        pltpu.sync_copy(rows[b], acc.at[dst_blk.at[j]], add=True)
    plsc.subcore_barrier()

    pltpu.sync_copy(acc.at[pl.ds(s * STRIPE, STRIPE)], out_hbm.at[wid])


_edge_call = pl.kernel(
    _edge_body,
    out_type=jax.ShapeDtypeStruct((NW, STRIPE, D), jnp.float32),
    mesh=_MESH,
    scratch_types=[
        pltpu.VMEM((PW,), jnp.int32),
        pltpu.VMEM((CH, C), jnp.int32),
        pltpu.VMEM((C, D), jnp.float32),
        pltpu.VMEM((C, D), jnp.float32),
        pltpu.SemaphoreType.DMA,
        pltpu.SemaphoreType.DMA,
        pltpu.VMEM_SHARED((N, D), jnp.float32),
    ],
)


def _mm1_body(x_ref, w_ref, dega_ref, degb_ref, xws_ref, dinv_ref):
    deg = dega_ref[...] + degb_ref[...] + 1.0
    dinv = lax.rsqrt(deg)
    dinv_ref[...] = dinv
    xw = jnp.dot(x_ref[...], w_ref[...], preferred_element_type=jnp.float32)
    xws_ref[...] = xw * dinv


def _bn_mm2_body(a0_ref, a1_ref, xws_ref, dinv_ref, b_ref, g_ref, be_ref,
                 w_ref, out_ref):
    t = (a0_ref[...] + a1_ref[...] + xws_ref[...]) * dinv_ref[...] + b_ref[...]
    m = jnp.mean(t, axis=0, keepdims=True)
    v = jnp.mean((t - m) * (t - m), axis=0, keepdims=True)
    y = (t - m) * lax.rsqrt(v + 1e-5) * g_ref[...] + be_ref[...]
    h = jnp.where(y > 0.0, y, jnp.exp(jnp.minimum(y, 0.0)) - 1.0)
    xw = jnp.dot(h, w_ref[...], preferred_element_type=jnp.float32)
    out_ref[...] = xw * dinv_ref[...]


def _bn_body(a0_ref, a1_ref, xws_ref, dinv_ref, b_ref, g_ref, be_ref, out_ref):
    t = (a0_ref[...] + a1_ref[...] + xws_ref[...]) * dinv_ref[...] + b_ref[...]
    m = jnp.mean(t, axis=0, keepdims=True)
    v = jnp.mean((t - m) * (t - m), axis=0, keepdims=True)
    y = (t - m) * lax.rsqrt(v + 1e-5) * g_ref[...] + be_ref[...]
    out_ref[...] = jnp.where(y > 0.0, y, jnp.exp(jnp.minimum(y, 0.0)) - 1.0)


@jax.jit
def kernel(x, edge_index, W1, b1, g1, be1, W2, b2, g2, be2):
    src = edge_index[0].astype(jnp.int32)
    dst = edge_index[1].astype(jnp.int32)
    src2d = src.reshape(NW, PW)
    dst2d = dst.reshape(NW, CH, C)

    zrows = jnp.zeros((STRIPE, D), jnp.float32)
    b1r, g1r, be1r = b1.reshape(1, D), g1.reshape(1, D), be1.reshape(1, D)
    b2r, g2r, be2r = b2.reshape(1, D), g2.reshape(1, D), be2.reshape(1, D)

    onesr = jnp.ones((C, D), jnp.float32)
    degp = _deg_call(dst2d, zrows, onesr)
    degp = degp.reshape(NC, N, D)[:, :, :1]

    xws1, dinv = pl.pallas_call(
        _mm1_body,
        out_shape=[
            jax.ShapeDtypeStruct((N, D), jnp.float32),
            jax.ShapeDtypeStruct((N, 1), jnp.float32),
        ],
    )(x, W1, degp[0], degp[1])

    parts1 = _edge_call(xws1, src2d, dst2d, zrows).reshape(NC, N, D)
    xws2 = pl.pallas_call(
        _bn_mm2_body,
        out_shape=jax.ShapeDtypeStruct((N, D), jnp.float32),
    )(parts1[0], parts1[1], xws1, dinv, b1r, g1r, be1r, W2)

    parts2 = _edge_call(xws2, src2d, dst2d, zrows).reshape(NC, N, D)
    h2 = pl.pallas_call(
        _bn_body,
        out_shape=jax.ShapeDtypeStruct((N, D), jnp.float32),
    )(parts2[0], parts2[1], xws2, dinv, b2r, g2r, be2r)
    return h2

# --- scband reference (transcript-rebuilt; emitter-appended) ---
"""Pipeline reference for scband-gnnmodule-88931592831411 (READ-ONLY COPY).

The authoritative reference and input builder live on the scoring server;
editing this copy changes nothing except your own understanding.
"""

import jax, jax.numpy as jnp
import numpy as np

N_NODES = 10000
N_EDGES = 320000
D = 128


def setup_inputs(seed: int = 0) -> dict:
    key = jax.random.key(seed)
    ks = jax.random.split(key, 12)
    x = jax.random.normal(ks[0], (N_NODES, D), dtype=jnp.float32)
    edge_index = jax.random.randint(ks[1], (2, N_EDGES), 0, N_NODES, dtype=jnp.int64)
    scale = 1.0 / np.sqrt(D)
    W1 = jax.random.uniform(ks[2], (D, D), minval=-scale, maxval=scale, dtype=jnp.float32)
    b1 = jnp.zeros((D,), dtype=jnp.float32)
    W2 = jax.random.uniform(ks[3], (D, D), minval=-scale, maxval=scale, dtype=jnp.float32)
    b2 = jnp.zeros((D,), dtype=jnp.float32)
    g1 = jnp.ones((D,), dtype=jnp.float32)
    be1 = jnp.zeros((D,), dtype=jnp.float32)
    g2 = jnp.ones((D,), dtype=jnp.float32)
    be2 = jnp.zeros((D,), dtype=jnp.float32)
    return {"x": x, "edge_index": edge_index, "W1": W1, "b1": b1, "g1": g1, "be1": be1, "W2": W2, "b2": b2, "g2": g2, "be2": be2}


def gcn_conv(x, edge_index, W, b):
    n = x.shape[0]
    loop = jnp.arange(n, dtype=edge_index.dtype)
    src = jnp.concatenate([edge_index[0], loop])
    dst = jnp.concatenate([edge_index[1], loop])
    deg = jnp.zeros((n,), dtype=x.dtype).at[dst].add(1.0)
    dinv = jnp.where(deg > 0, 1.0 / jnp.sqrt(deg), 0.0)
    norm = dinv[src] * dinv[dst]
    xw = x @ W
    msg = xw[src] * norm[:, None]
    out = jnp.zeros((n, W.shape[1]), dtype=xw.dtype).at[dst].add(msg)
    return out + b


def batchnorm(x, gamma, beta, eps=1e-5):
    mean = jnp.mean(x, axis=0)
    var = jnp.var(x, axis=0)
    return (x - mean) / jnp.sqrt(var + eps) * gamma + beta


def elu(x):
    return jnp.where(x > 0, x, jnp.expm1(x))


def reference(x, edge_index, W1, b1, g1, be1, W2, b2, g2, be2):
    # layer 1: dropout(eval=identity) -> gcn -> bn -> elu
    h = gcn_conv(x, edge_index, W1, b1)
    h = batchnorm(h, g1, be1)
    h = elu(h)
    # layer 2
    h = gcn_conv(h, edge_index, W2, b2)
    h = batchnorm(h, g2, be2)
    h = elu(h)
    return h

if __name__ == "__main__":
    import jax
    _d = setup_inputs()
    print(jax.jit(kernel)(*tuple(_d.values())))

</pallas_src>

<mosaic_0001>
#map = affine_map<(d0, d1) -> (0, 0)>
#map1 = affine_map<(d0, d1) -> (0, 0, 0)>
module attributes {stable_mosaic.version = 14 : i64} {
  func.func @_edge_body(%arg0: i32, %arg1: i32, %arg2: memref<10000x128xf32, #tpu.memory_space<hbm>>, %arg3: memref<32x10000xi32, #tpu.memory_space<hbm>>, %arg4: memref<32x125x80xi32, #tpu.memory_space<hbm>>, %arg5: memref<625x128xf32, #tpu.memory_space<hbm>>, %arg6: memref<32x625x128xf32, #tpu.memory_space<hbm>>, %arg7: memref<10000xi32, #tpu.memory_space<vmem>>, %arg8: memref<125x80xi32, #tpu.memory_space<vmem>>, %arg9: memref<80x128xf32, #tpu.memory_space<vmem>>, %arg10: memref<80x128xf32, #tpu.memory_space<vmem>>, %arg11: memref<!tpu.dma_semaphore, #tpu.memory_space<semaphore_mem>>, %arg12: memref<!tpu.dma_semaphore, #tpu.memory_space<semaphore_mem>>, %arg13: memref<10000x128xf32, #tpu.memory_space<vmem_shared>>) attributes {dimension_semantics = [#tpu.dimension_semantics<core_parallel>, #tpu.dimension_semantics<subcore_parallel>], iteration_bounds = array<i64: 2, 16>, scalar_prefetch = 0 : i64, scratch_operands = 7 : i64, tpu.core_type = #tpu.core_type<sc_vector_subcore>, window_params = [{transform_indices = #map}, {transform_indices = #map}, {transform_indices = #map1}, {transform_indices = #map}, {transform_indices = #map1}]} {
    %mul3A = arith.constant 16 : i32
    %mul3A_0 = arith.muli %arg0, %mul3A : i32
    %add3A = arith.addi %mul3A_0, %arg1 : i32
    %mul3A_1 = arith.constant 625 : i32
    %mul3A_2 = arith.muli %arg1, %mul3A_1 : i32
    "tpu.region"() ({
      %run_scoped3A_25 = tpu.sem_alloc : memref<!tpu.dma_semaphore, #tpu.memory_space<semaphore_mem>>
      %dma_start3A_26 = arith.constant 0 : i32
      %dma_start3A_27 = tpu.memref_slice %arg13[%mul3A_2, %dma_start3A_26] : memref<10000x128xf32, #tpu.memory_space<vmem_shared>> -> memref<625x128xf32, #tpu.memory_space<vmem_shared>>
      tpu.enqueue_dma source(%arg5 : memref<625x128xf32, #tpu.memory_space<hbm>>) target(%dma_start3A_27 : memref<625x128xf32, #tpu.memory_space<vmem_shared>>) target_semaphore(%run_scoped3A_25 : memref<!tpu.dma_semaphore, #tpu.memory_space<semaphore_mem>>)
      %dma_wait3A_28 = arith.constant 0 : i32
      %dma_wait3A_29 = tpu.memref_slice %arg13[%mul3A_2, %dma_wait3A_28] : memref<10000x128xf32, #tpu.memory_space<vmem_shared>> -> memref<625x128xf32, #tpu.memory_space<vmem_shared>>
      tpu.wait_dma2 semaphore(%run_scoped3A_25 : memref<!tpu.dma_semaphore, #tpu.memory_space<semaphore_mem>>) src(%arg5 : memref<625x128xf32, #tpu.memory_space<hbm>>) dst(%dma_wait3A_29 : memref<625x128xf32, #tpu.memory_space<vmem_shared>>)
      tpu.yield
    }) : () -> ()
    "tpu.region"() ({
      %run_scoped3A_25 = tpu.sem_alloc : memref<!tpu.dma_semaphore, #tpu.memory_space<semaphore_mem>>
      %dma_start3A_26 = arith.constant 0 : i32
      %dma_start3A_27 = tpu.memref_slice %arg3[%add3A, %dma_start3A_26] : memref<32x10000xi32, #tpu.memory_space<hbm>> -> memref<1x10000xi32, #tpu.memory_space<hbm>>
      %dma_start3A_28 = tpu.memref_squeeze %dma_start3A_27 : memref<1x10000xi32, #tpu.memory_space<hbm>> -> memref<10000xi32, #tpu.memory_space<hbm>>
      %dma_start3A_29 = arith.constant 0 : i32
      %dma_start3A_30 = tpu.memref_slice %arg3[%add3A, %dma_start3A_29] : memref<32x10000xi32, #tpu.memory_space<hbm>> -> memref<1x10000xi32, #tpu.memory_space<hbm>>
      %dma_start3A_31 = tpu.memref_squeeze %dma_start3A_30 : memref<1x10000xi32, #tpu.memory_space<hbm>> -> memref<10000xi32, #tpu.memory_space<hbm>>
      tpu.enqueue_dma source(%dma_start3A_31 : memref<10000xi32, #tpu.memory_space<hbm>>) target(%arg7 : memref<10000xi32, #tpu.memory_space<vmem>>) target_semaphore(%run_scoped3A_25 : memref<!tpu.dma_semaphore, #tpu.memory_space<semaphore_mem>>)
      %dma_wait3A_32 = arith.constant 0 : i32
      %dma_wait3A_33 = tpu.memref_slice %arg3[%add3A, %dma_wait3A_32] : memref<32x10000xi32, #tpu.memory_space<hbm>> -> memref<1x10000xi32, #tpu.memory_space<hbm>>
      %dma_wait3A_34 = tpu.memref_squeeze %dma_wait3A_33 : memref<1x10000xi32, #tpu.memory_space<hbm>> -> memref<10000xi32, #tpu.memory_space<hbm>>
      %dma_wait3A_35 = arith.constant 0 : i32
      %dma_wait3A_36 = tpu.memref_slice %arg3[%add3A, %dma_wait3A_35] : memref<32x10000xi32, #tpu.memory_space<hbm>> -> memref<1x10000xi32, #tpu.memory_space<hbm>>
      %dma_wait3A_37 = tpu.memref_squeeze %dma_wait3A_36 : memref<1x10000xi32, #tpu.memory_space<hbm>> -> memref<10000xi32, #tpu.memory_space<hbm>>
      tpu.wait_dma2 semaphore(%run_scoped3A_25 : memref<!tpu.dma_semaphore, #tpu.memory_space<semaphore_mem>>) src(%dma_wait3A_37 : memref<10000xi32, #tpu.memory_space<hbm>>) dst(%arg7 : memref<10000xi32, #tpu.memory_space<vmem>>)
      tpu.yield
    }) : () -> ()
    "tpu.region"() ({
      %run_scoped3A_25 = tpu.sem_alloc : memref<!tpu.dma_semaphore, #tpu.memory_space<semaphore_mem>>
      %dma_start3A_26 = arith.constant 0 : i32
      %dma_start3A_27 = arith.constant 0 : i32
      %dma_start3A_28 = tpu.memref_slice %arg4[%add3A, %dma_start3A_26, %dma_start3A_27] : memref<32x125x80xi32, #tpu.memory_space<hbm>> -> memref<1x125x80xi32, #tpu.memory_space<hbm>>
      %dma_start3A_29 = tpu.memref_squeeze %dma_start3A_28 : memref<1x125x80xi32, #tpu.memory_space<hbm>> -> memref<125x80xi32, #tpu.memory_space<hbm>>
      %dma_start3A_30 = arith.constant 0 : i32
      %dma_start3A_31 = arith.constant 0 : i32
      %dma_start3A_32 = tpu.memref_slice %arg4[%add3A, %dma_start3A_30, %dma_start3A_31] : memref<32x125x80xi32, #tpu.memory_space<hbm>> -> memref<1x125x80xi32, #tpu.memory_space<hbm>>
      %dma_start3A_33 = tpu.memref_squeeze %dma_start3A_32 : memref<1x125x80xi32, #tpu.memory_space<hbm>> -> memref<125x80xi32, #tpu.memory_space<hbm>>
      tpu.enqueue_dma source(%dma_start3A_33 : memref<125x80xi32, #tpu.memory_space<hbm>>) target(%arg8 : memref<125x80xi32, #tpu.memory_space<vmem>>) target_semaphore(%run_scoped3A_25 : memref<!tpu.dma_semaphore, #tpu.memory_space<semaphore_mem>>)
      %dma_wait3A_34 = arith.constant 0 : i32
      %dma_wait3A_35 = arith.constant 0 : i32
      %dma_wait3A_36 = tpu.memref_slice %arg4[%add3A, %dma_wait3A_34, %dma_wait3A_35] : memref<32x125x80xi32, #tpu.memory_space<hbm>> -> memref<1x125x80xi32, #tpu.memory_space<hbm>>
      %dma_wait3A_37 = tpu.memref_squeeze %dma_wait3A_36 : memref<1x125x80xi32, #tpu.memory_space<hbm>> -> memref<125x80xi32, #tpu.memory_space<hbm>>
      %dma_wait3A_38 = arith.constant 0 : i32
      %dma_wait3A_39 = arith.constant 0 : i32
      %dma_wait3A_40 = tpu.memref_slice %arg4[%add3A, %dma_wait3A_38, %dma_wait3A_39] : memref<32x125x80xi32, #tpu.memory_space<hbm>> -> memref<1x125x80xi32, #tpu.memory_space<hbm>>
      %dma_wait3A_41 = tpu.memref_squeeze %dma_wait3A_40 : memref<1x125x80xi32, #tpu.memory_space<hbm>> -> memref<125x80xi32, #tpu.memory_space<hbm>>
      tpu.wait_dma2 semaphore(%run_scoped3A_25 : memref<!tpu.dma_semaphore, #tpu.memory_space<semaphore_mem>>) src(%dma_wait3A_41 : memref<125x80xi32, #tpu.memory_space<hbm>>) dst(%arg8 : memref<125x80xi32, #tpu.memory_space<vmem>>)
      tpu.yield
    }) : () -> ()
    %barrier3A = arith.constant 0 : index
    tpu.barrier barrier_id(%barrier3A)
    %dma_start3A = arith.constant 0 : i32
    %dma_start3A_3 = tpu.memref_slice %arg7[%dma_start3A] : memref<10000xi32, #tpu.memory_space<vmem>> -> memref<80xi32, #tpu.memory_space<vmem>>
    %dma_start3A_4 = arith.constant 0 : i32
    %dma_start3A_5 = arith.constant 0 : i32
    %dma_start3A_6 = tpu.memref_slice %arg2[%dma_start3A_4, %dma_start3A_5] : memref<10000x128xf32, #tpu.memory_space<hbm>> -> memref<10000x128xf32, #tpu.memory_space<hbm>>
    tpu.enqueue_indirect_dma source(%dma_start3A_6 : memref<10000x128xf32, #tpu.memory_space<hbm>>) target(%arg9 : memref<80x128xf32, #tpu.memory_space<vmem>>) offsets(%dma_start3A_3 : memref<80xi32, #tpu.memory_space<vmem>>) semaphore(%arg11 : memref<!tpu.dma_semaphore, #tpu.memory_space<semaphore_mem>>)
    %dma_start3A_7 = arith.constant 80 : i32
    %dma_start3A_8 = tpu.memref_slice %arg7[%dma_start3A_7] : memref<10000xi32, #tpu.memory_space<vmem>> -> memref<80xi32, #tpu.memory_space<vmem>>
    %dma_start3A_9 = arith.constant 0 : i32
    %dma_start3A_10 = arith.constant 0 : i32
    %dma_start3A_11 = tpu.memref_slice %arg2[%dma_start3A_9, %dma_start3A_10] : memref<10000x128xf32, #tpu.memory_space<hbm>> -> memref<10000x128xf32, #tpu.memory_space<hbm>>
    tpu.enqueue_indirect_dma source(%dma_start3A_11 : memref<10000x128xf32, #tpu.memory_space<hbm>>) target(%arg10 : memref<80x128xf32, #tpu.memory_space<vmem>>) offsets(%dma_start3A_8 : memref<80xi32, #tpu.memory_space<vmem>>) semaphore(%arg12 : memref<!tpu.dma_semaphore, #tpu.memory_space<semaphore_mem>>)
    %scan3A = arith.constant 0 : i32
    %scan3A_12 = arith.constant 0 : i32
    %scan3A_13 = arith.constant 62 : i32
    %scan3A_14 = arith.addi %scan3A_12, %scan3A_13 : i32
    %scan3A_15 = arith.constant 1 : i32
    %scan3A_16 = scf.for %scan3A_25 = %scan3A_12 to %scan3A_14 step %scan3A_15 iter_args(%scan3A_26 = %scan3A) -> (i32)  : i32 {
      %mul3A_27 = arith.constant 2 : i32
      %mul3A_28 = arith.muli %scan3A_25, %mul3A_27 : i32
      %add3A_29 = arith.constant 0 : i32
      %add3A_30 = arith.addi %mul3A_28, %add3A_29 : i32
      %mul3A_31 = arith.constant 80 : i32
      %mul3A_32 = arith.muli %add3A_30, %mul3A_31 : i32
      %dma_wait3A_33 = tpu.memref_slice %arg7[%mul3A_32] : memref<10000xi32, #tpu.memory_space<vmem>> -> memref<80xi32, #tpu.memory_space<vmem>>
      %dma_wait3A_34 = arith.constant 0 : i32
      %dma_wait3A_35 = arith.constant 0 : i32
      %dma_wait3A_36 = tpu.memref_slice %arg2[%dma_wait3A_34, %dma_wait3A_35] : memref<10000x128xf32, #tpu.memory_space<hbm>> -> memref<10000x128xf32, #tpu.memory_space<hbm>>
      tpu.wait_indirect_dma semaphore(%arg11 : memref<!tpu.dma_semaphore, #tpu.memory_space<semaphore_mem>>) src(%dma_wait3A_36 : memref<10000x128xf32, #tpu.memory_space<hbm>>) dst(%arg9 : memref<80x128xf32, #tpu.memory_space<vmem>>)
      "tpu.region"() ({
        %run_scoped3A_57 = tpu.sem_alloc : memref<!tpu.dma_semaphore, #tpu.memory_space<semaphore_mem>>
        %dma_start3A_58 = arith.constant 0 : i32
        %dma_start3A_59 = tpu.memref_slice %arg8[%add3A_30, %dma_start3A_58] : memref<125x80xi32, #tpu.memory_space<vmem>> -> memref<1x80xi32, #tpu.memory_space<vmem>>
        %dma_start3A_60 = tpu.memref_squeeze %dma_start3A_59 : memref<1x80xi32, #tpu.memory_space<vmem>> -> memref<80xi32, #tpu.memory_space<vmem>>
        %dma_start3A_61 = arith.constant 0 : i32
        %dma_start3A_62 = arith.constant 0 : i32
        %dma_start3A_63 = tpu.memref_slice %arg13[%dma_start3A_61, %dma_start3A_62] : memref<10000x128xf32, #tpu.memory_space<vmem_shared>> -> memref<10000x128xf32, #tpu.memory_space<vmem_shared>>
        tpu.enqueue_indirect_dma source(%arg9 : memref<80x128xf32, #tpu.memory_space<vmem>>) target(%dma_start3A_63 : memref<10000x128xf32, #tpu.memory_space<vmem_shared>>) offsets(%dma_start3A_60 : memref<80xi32, #tpu.memory_space<vmem>>) semaphore(%run_scoped3A_57 : memref<!tpu.dma_semaphore, #tpu.memory_space<semaphore_mem>>) {add = true}
        %dma_wait3A_64 = arith.constant 0 : i32
        %dma_wait3A_65 = tpu.memref_slice %arg8[%add3A_30, %dma_wait3A_64] : memref<125x80xi32, #tpu.memory_space<vmem>> -> memref<1x80xi32, #tpu.memory_space<vmem>>
        %dma_wait3A_66 = tpu.memref_squeeze %dma_wait3A_65 : memref<1x80xi32, #tpu.memory_space<vmem>> -> memref<80xi32, #tpu.memory_space<vmem>>
        %dma_wait3A_67 = arith.constant 0 : i32
        %dma_wait3A_68 = arith.constant 0 : i32
        %dma_wait3A_69 = tpu.memref_slice %arg13[%dma_wait3A_67, %dma_wait3A_68] : memref<10000x128xf32, #tpu.memory_space<vmem_shared>> -> memref<10000x128xf32, #tpu.memory_space<vmem_shared>>
        tpu.wait_indirect_dma semaphore(%run_scoped3A_57 : memref<!tpu.dma_semaphore, #tpu.memory_space<semaphore_mem>>) src(%arg9 : memref<80x128xf32, #tpu.memory_space<vmem>>) dst(%dma_wait3A_69 : memref<10000x128xf32, #tpu.memory_space<vmem_shared>>)
        tpu.yield
      }) : () -> ()
      %add3A_37 = arith.constant 2 : i32
      %add3A_38 = arith.addi %add3A_30, %add3A_37 : i32
      %lt3A = arith.constant 125 : i32
      %lt3A_39 = arith.cmpi slt, %add3A_38, %lt3A : i32
      %convert_element_type3A = arith.extui %lt3A_39 : i1 to i32
      %cond3A = arith.constant 0 : i32
      %cond3A_40 = arith.cmpi ne, %convert_element_type3A, %cond3A : i32
      scf.if %cond3A_40 {
        %add3A_57 = arith.constant 2 : i32
        %add3A_58 = arith.addi %add3A_30, %add3A_57 : i32
        %mul3A_59 = arith.constant 80 : i32
        %mul3A_60 = arith.muli %add3A_58, %mul3A_59 : i32
        %dma_start3A_61 = tpu.memref_slice %arg7[%mul3A_60] : memref<10000xi32, #tpu.memory_space<vmem>> -> memref<80xi32, #tpu.memory_space<vmem>>
        %dma_start3A_62 = arith.constant 0 : i32
        %dma_start3A_63 = arith.constant 0 : i32
        %dma_start3A_64 = tpu.memref_slice %arg2[%dma_start3A_62, %dma_start3A_63] : memref<10000x128xf32, #tpu.memory_space<hbm>> -> memref<10000x128xf32, #tpu.memory_space<hbm>>
        tpu.enqueue_indirect_dma source(%dma_start3A_64 : memref<10000x128xf32, #tpu.memory_space<hbm>>) target(%arg9 : memref<80x128xf32, #tpu.memory_space<vmem>>) offsets(%dma_start3A_61 : memref<80xi32, #tpu.memory_space<vmem>>) semaphore(%arg11 : memref<!tpu.dma_semaphore, #tpu.memory_space<semaphore_mem>>)
      } else {
      }
      %add3A_41 = arith.constant 1 : i32
      %add3A_42 = arith.addi %mul3A_28, %add3A_41 : i32
      %mul3A_43 = arith.constant 80 : i32
      %mul3A_44 = arith.muli %add3A_42, %mul3A_43 : i32
      %dma_wait3A_45 = tpu.memref_slice %arg7[%mul3A_44] : memref<10000xi32, #tpu.memory_space<vmem>> -> memref<80xi32, #tpu.memory_space<vmem>>
      %dma_wait3A_46 = arith.constant 0 : i32
      %dma_wait3A_47 = arith.constant 0 : i32
      %dma_wait3A_48 = tpu.memref_slice %arg2[%dma_wait3A_46, %dma_wait3A_47] : memref<10000x128xf32, #tpu.memory_space<hbm>> -> memref<10000x128xf32, #tpu.memory_space<hbm>>
      tpu.wait_indirect_dma semaphore(%arg12 : memref<!tpu.dma_semaphore, #tpu.memory_space<semaphore_mem>>) src(%dma_wait3A_48 : memref<10000x128xf32, #tpu.memory_space<hbm>>) dst(%arg10 : memref<80x128xf32, #tpu.memory_space<vmem>>)
      "tpu.region"() ({
        %run_scoped3A_57 = tpu.sem_alloc : memref<!tpu.dma_semaphore, #tpu.memory_space<semaphore_mem>>
        %dma_start3A_58 = arith.constant 0 : i32
        %dma_start3A_59 = tpu.memref_slice %arg8[%add3A_42, %dma_start3A_58] : memref<125x80xi32, #tpu.memory_space<vmem>> -> memref<1x80xi32, #tpu.memory_space<vmem>>
        %dma_start3A_60 = tpu.memref_squeeze %dma_start3A_59 : memref<1x80xi32, #tpu.memory_space<vmem>> -> memref<80xi32, #tpu.memory_space<vmem>>
        %dma_start3A_61 = arith.constant 0 : i32
        %dma_start3A_62 = arith.constant 0 : i32
        %dma_start3A_63 = tpu.memref_slice %arg13[%dma_start3A_61, %dma_start3A_62] : memref<10000x128xf32, #tpu.memory_space<vmem_shared>> -> memref<10000x128xf32, #tpu.memory_space<vmem_shared>>
        tpu.enqueue_indirect_dma source(%arg10 : memref<80x128xf32, #tpu.memory_space<vmem>>) target(%dma_start3A_63 : memref<10000x128xf32, #tpu.memory_space<vmem_shared>>) offsets(%dma_start3A_60 : memref<80xi32, #tpu.memory_space<vmem>>) semaphore(%run_scoped3A_57 : memref<!tpu.dma_semaphore, #tpu.memory_space<semaphore_mem>>) {add = true}
        %dma_wait3A_64 = arith.constant 0 : i32
        %dma_wait3A_65 = tpu.memref_slice %arg8[%add3A_42, %dma_wait3A_64] : memref<125x80xi32, #tpu.memory_space<vmem>> -> memref<1x80xi32, #tpu.memory_space<vmem>>
        %dma_wait3A_66 = tpu.memref_squeeze %dma_wait3A_65 : memref<1x80xi32, #tpu.memory_space<vmem>> -> memref<80xi32, #tpu.memory_space<vmem>>
        %dma_wait3A_67 = arith.constant 0 : i32
        %dma_wait3A_68 = arith.constant 0 : i32
        %dma_wait3A_69 = tpu.memref_slice %arg13[%dma_wait3A_67, %dma_wait3A_68] : memref<10000x128xf32, #tpu.memory_space<vmem_shared>> -> memref<10000x128xf32, #tpu.memory_space<vmem_shared>>
        tpu.wait_indirect_dma semaphore(%run_scoped3A_57 : memref<!tpu.dma_semaphore, #tpu.memory_space<semaphore_mem>>) src(%arg10 : memref<80x128xf32, #tpu.memory_space<vmem>>) dst(%dma_wait3A_69 : memref<10000x128xf32, #tpu.memory_space<vmem_shared>>)
        tpu.yield
      }) : () -> ()
      %add3A_49 = arith.constant 2 : i32
      %add3A_50 = arith.addi %add3A_42, %add3A_49 : i32
      %lt3A_51 = arith.constant 125 : i32
      %lt3A_52 = arith.cmpi slt, %add3A_50, %lt3A_51 : i32
      %convert_element_type3A_53 = arith.extui %lt3A_52 : i1 to i32
      %cond3A_54 = arith.constant 0 : i32
      %cond3A_55 = arith.cmpi ne, %convert_element_type3A_53, %cond3A_54 : i32
      scf.if %cond3A_55 {
        %add3A_57 = arith.constant 2 : i32
        %add3A_58 = arith.addi %add3A_42, %add3A_57 : i32
        %mul3A_59 = arith.constant 80 : i32
        %mul3A_60 = arith.muli %add3A_58, %mul3A_59 : i32
        %dma_start3A_61 = tpu.memref_slice %arg7[%mul3A_60] : memref<10000xi32, #tpu.memory_space<vmem>> -> memref<80xi32, #tpu.memory_space<vmem>>
        %dma_start3A_62 = arith.constant 0 : i32
        %dma_start3A_63 = arith.constant 0 : i32
        %dma_start3A_64 = tpu.memref_slice %arg2[%dma_start3A_62, %dma_start3A_63] : memref<10000x128xf32, #tpu.memory_space<hbm>> -> memref<10000x128xf32, #tpu.memory_space<hbm>>
        tpu.enqueue_indirect_dma source(%dma_start3A_64 : memref<10000x128xf32, #tpu.memory_space<hbm>>) target(%arg10 : memref<80x128xf32, #tpu.memory_space<vmem>>) offsets(%dma_start3A_61 : memref<80xi32, #tpu.memory_space<vmem>>) semaphore(%arg12 : memref<!tpu.dma_semaphore, #tpu.memory_space<semaphore_mem>>)
      } else {
      }
      %scan3A_56 = arith.constant 0 : i32
      scf.yield %scan3A_56 : i32
    }
    %scan3A_17 = arith.constant 62 : i32
    %dma_wait3A = arith.constant 9920 : i32
    %dma_wait3A_18 = tpu.memref_slice %arg7[%dma_wait3A] : memref<10000xi32, #tpu.memory_space<vmem>> -> memref<80xi32, #tpu.memory_space<vmem>>
    %dma_wait3A_19 = arith.constant 0 : i32
    %dma_wait3A_20 = arith.constant 0 : i32
    %dma_wait3A_21 = tpu.memref_slice %arg2[%dma_wait3A_19, %dma_wait3A_20] : memref<10000x128xf32, #tpu.memory_space<hbm>> -> memref<10000x128xf32, #tpu.memory_space<hbm>>
    tpu.wait_indirect_dma semaphore(%arg11 : memref<!tpu.dma_semaphore, #tpu.memory_space<semaphore_mem>>) src(%dma_wait3A_21 : memref<10000x128xf32, #tpu.memory_space<hbm>>) dst(%arg9 : memref<80x128xf32, #tpu.memory_space<vmem>>)
    %run_scoped3A = arith.constant 124 : i32
    "tpu.region"() ({
      %run_scoped3A_25 = tpu.sem_alloc : memref<!tpu.dma_semaphore, #tpu.memory_space<semaphore_mem>>
      %dma_start3A_26 = arith.constant 0 : i32
      %dma_start3A_27 = tpu.memref_slice %arg8[%run_scoped3A, %dma_start3A_26] : memref<125x80xi32, #tpu.memory_space<vmem>> -> memref<1x80xi32, #tpu.memory_space<vmem>>
      %dma_start3A_28 = tpu.memref_squeeze %dma_start3A_27 : memref<1x80xi32, #tpu.memory_space<vmem>> -> memref<80xi32, #tpu.memory_space<vmem>>
      %dma_start3A_29 = arith.constant 0 : i32
      %dma_start3A_30 = arith.constant 0 : i32
      %dma_start3A_31 = tpu.memref_slice %arg13[%dma_start3A_29, %dma_start3A_30] : memref<10000x128xf32, #tpu.memory_space<vmem_shared>> -> memref<10000x128xf32, #tpu.memory_space<vmem_shared>>
      tpu.enqueue_indirect_dma source(%arg9 : memref<80x128xf32, #tpu.memory_space<vmem>>) target(%dma_start3A_31 : memref<10000x128xf32, #tpu.memory_space<vmem_shared>>) offsets(%dma_start3A_28 : memref<80xi32, #tpu.memory_space<vmem>>) semaphore(%run_scoped3A_25 : memref<!tpu.dma_semaphore, #tpu.memory_space<semaphore_mem>>) {add = true}
      %dma_wait3A_32 = arith.constant 0 : i32
      %dma_wait3A_33 = tpu.memref_slice %arg8[%run_scoped3A, %dma_wait3A_32] : memref<125x80xi32, #tpu.memory_space<vmem>> -> memref<1x80xi32, #tpu.memory_space<vmem>>
      %dma_wait3A_34 = tpu.memref_squeeze %dma_wait3A_33 : memref<1x80xi32, #tpu.memory_space<vmem>> -> memref<80xi32, #tpu.memory_space<vmem>>
      %dma_wait3A_35 = arith.constant 0 : i32
      %dma_wait3A_36 = arith.constant 0 : i32
      %dma_wait3A_37 = tpu.memref_slice %arg13[%dma_wait3A_35, %dma_wait3A_36] : memref<10000x128xf32, #tpu.memory_space<vmem_shared>> -> memref<10000x128xf32, #tpu.memory_space<vmem_shared>>
      tpu.wait_indirect_dma semaphore(%run_scoped3A_25 : memref<!tpu.dma_semaphore, #tpu.memory_space<semaphore_mem>>) src(%arg9 : memref<80x128xf32, #tpu.memory_space<vmem>>) dst(%dma_wait3A_37 : memref<10000x128xf32, #tpu.memory_space<vmem_shared>>)
      tpu.yield
    }) : () -> ()
    %barrier3A_22 = arith.constant 0 : index
    tpu.barrier barrier_id(%barrier3A_22)
    %mul3A_23 = arith.constant 625 : i32
    %mul3A_24 = arith.muli %arg1, %mul3A_23 : i32
    "tpu.region"() ({
      %run_scoped3A_25 = tpu.sem_alloc : memref<!tpu.dma_semaphore, #tpu.memory_space<semaphore_mem>>
      %dma_start3A_26 = arith.constant 0 : i32
      %dma_start3A_27 = arith.constant 0 : i32
      %dma_start3A_28 = tpu.memref_slice %arg6[%add3A, %dma_start3A_26, %dma_start3A_27] : memref<32x625x128xf32, #tpu.memory_space<hbm>> -> memref<1x625x128xf32, #tpu.memory_space<hbm>>
      %dma_start3A_29 = tpu.memref_squeeze %dma_start3A_28 : memref<1x625x128xf32, #tpu.memory_space<hbm>> -> memref<625x128xf32, #tpu.memory_space<hbm>>
      %dma_start3A_30 = arith.constant 0 : i32
      %dma_start3A_31 = tpu.memref_slice %arg13[%mul3A_24, %dma_start3A_30] : memref<10000x128xf32, #tpu.memory_space<vmem_shared>> -> memref<625x128xf32, #tpu.memory_space<vmem_shared>>
      tpu.enqueue_dma source(%dma_start3A_31 : memref<625x128xf32, #tpu.memory_space<vmem_shared>>) target(%dma_start3A_29 : memref<625x128xf32, #tpu.memory_space<hbm>>) target_semaphore(%run_scoped3A_25 : memref<!tpu.dma_semaphore, #tpu.memory_space<semaphore_mem>>)
      %dma_wait3A_32 = arith.constant 0 : i32
      %dma_wait3A_33 = arith.constant 0 : i32
      %dma_wait3A_34 = tpu.memref_slice %arg6[%add3A, %dma_wait3A_32, %dma_wait3A_33] : memref<32x625x128xf32, #tpu.memory_space<hbm>> -> memref<1x625x128xf32, #tpu.memory_space<hbm>>
      %dma_wait3A_35 = tpu.memref_squeeze %dma_wait3A_34 : memref<1x625x128xf32, #tpu.memory_space<hbm>> -> memref<625x128xf32, #tpu.memory_space<hbm>>
      %dma_wait3A_36 = arith.constant 0 : i32
      %dma_wait3A_37 = tpu.memref_slice %arg13[%mul3A_24, %dma_wait3A_36] : memref<10000x128xf32, #tpu.memory_space<vmem_shared>> -> memref<625x128xf32, #tpu.memory_space<vmem_shared>>
      tpu.wait_dma2 semaphore(%run_scoped3A_25 : memref<!tpu.dma_semaphore, #tpu.memory_space<semaphore_mem>>) src(%dma_wait3A_37 : memref<625x128xf32, #tpu.memory_space<vmem_shared>>) dst(%dma_wait3A_35 : memref<625x128xf32, #tpu.memory_space<hbm>>)
      tpu.yield
    }) : () -> ()
    return
  }
}

#map = affine_map<(d0, d1) -> (0, 0)>
#map1 = affine_map<(d0, d1) -> (0, 0, 0)>
module attributes {stable_mosaic.version = 14 : i64} {
  func.func @_edge_body(%arg0: i32, %arg1: i32, %arg2: memref<10000x128xf32, #tpu.memory_space<hbm>>, %arg3: memref<32x10000xi32, #tpu.memory_space<hbm>>, %arg4: memref<32x125x80xi32, #tpu.memory_space<hbm>>, %arg5: memref<625x128xf32, #tpu.memory_space<hbm>>, %arg6: memref<32x625x128xf32, #tpu.memory_space<hbm>>, %arg7: memref<10000xi32, #tpu.memory_space<vmem>>, %arg8: memref<125x80xi32, #tpu.memory_space<vmem>>, %arg9: memref<80x128xf32, #tpu.memory_space<vmem>>, %arg10: memref<80x128xf32, #tpu.memory_space<vmem>>, %arg11: memref<!tpu.dma_semaphore, #tpu.memory_space<semaphore_mem>>, %arg12: memref<!tpu.dma_semaphore, #tpu.memory_space<semaphore_mem>>, %arg13: memref<10000x128xf32, #tpu.memory_space<vmem_shared>>) attributes {dimension_semantics = [#tpu.dimension_semantics<core_parallel>, #tpu.dimension_semantics<subcore_parallel>], iteration_bounds = array<i64: 2, 16>, scalar_prefetch = 0 : i64, scratch_operands = 7 : i64, tpu.core_type = #tpu.core_type<sc_vector_subcore>, window_params = [{transform_indices = #map}, {transform_indices = #map}, {transform_indices = #map1}, {transform_indices = #map}, {transform_indices = #map1}]} {
    %mul3A = arith.constant 16 : i32
    %mul3A_0 = arith.muli %arg0, %mul3A : i32
    %add3A = arith.addi %mul3A_0, %arg1 : i32
    %mul3A_1 = arith.constant 625 : i32
    %mul3A_2 = arith.muli %arg1, %mul3A_1 : i32
    "tpu.region"() ({
      %run_scoped3A_25 = tpu.sem_alloc : memref<!tpu.dma_semaphore, #tpu.memory_space<semaphore_mem>>
      %dma_start3A_26 = arith.constant 0 : i32
      %dma_start3A_27 = tpu.memref_slice %arg13[%mul3A_2, %dma_start3A_26] : memref<10000x128xf32, #tpu.memory_space<vmem_shared>> -> memref<625x128xf32, #tpu.memory_space<vmem_shared>>
      tpu.enqueue_dma source(%arg5 : memref<625x128xf32, #tpu.memory_space<hbm>>) target(%dma_start3A_27 : memref<625x128xf32, #tpu.memory_space<vmem_shared>>) target_semaphore(%run_scoped3A_25 : memref<!tpu.dma_semaphore, #tpu.memory_space<semaphore_mem>>)
      %dma_wait3A_28 = arith.constant 0 : i32
      %dma_wait3A_29 = tpu.memref_slice %arg13[%mul3A_2, %dma_wait3A_28] : memref<10000x128xf32, #tpu.memory_space<vmem_shared>> -> memref<625x128xf32, #tpu.memory_space<vmem_shared>>
      tpu.wait_dma2 semaphore(%run_scoped3A_25 : memref<!tpu.dma_semaphore, #tpu.memory_space<semaphore_mem>>) src(%arg5 : memref<625x128xf32, #tpu.memory_space<hbm>>) dst(%dma_wait3A_29 : memref<625x128xf32, #tpu.memory_space<vmem_shared>>)
      tpu.yield
    }) : () -> ()
    "tpu.region"() ({
      %run_scoped3A_25 = tpu.sem_alloc : memref<!tpu.dma_semaphore, #tpu.memory_space<semaphore_mem>>
      %dma_start3A_26 = arith.constant 0 : i32
      %dma_start3A_27 = tpu.memref_slice %arg3[%add3A, %dma_start3A_26] : memref<32x10000xi32, #tpu.memory_space<hbm>> -> memref<1x10000xi32, #tpu.memory_space<hbm>>
      %dma_start3A_28 = tpu.memref_squeeze %dma_start3A_27 : memref<1x10000xi32, #tpu.memory_space<hbm>> -> memref<10000xi32, #tpu.memory_space<hbm>>
      %dma_start3A_29 = arith.constant 0 : i32
      %dma_start3A_30 = tpu.memref_slice %arg3[%add3A, %dma_start3A_29] : memref<32x10000xi32, #tpu.memory_space<hbm>> -> memref<1x10000xi32, #tpu.memory_space<hbm>>
      %dma_start3A_31 = tpu.memref_squeeze %dma_start3A_30 : memref<1x10000xi32, #tpu.memory_space<hbm>> -> memref<10000xi32, #tpu.memory_space<hbm>>
      tpu.enqueue_dma source(%dma_start3A_31 : memref<10000xi32, #tpu.memory_space<hbm>>) target(%arg7 : memref<10000xi32, #tpu.memory_space<vmem>>) target_semaphore(%run_scoped3A_25 : memref<!tpu.dma_semaphore, #tpu.memory_space<semaphore_mem>>)
      %dma_wait3A_32 = arith.constant 0 : i32
      %dma_wait3A_33 = tpu.memref_slice %arg3[%add3A, %dma_wait3A_32] : memref<32x10000xi32, #tpu.memory_space<hbm>> -> memref<1x10000xi32, #tpu.memory_space<hbm>>
      %dma_wait3A_34 = tpu.memref_squeeze %dma_wait3A_33 : memref<1x10000xi32, #tpu.memory_space<hbm>> -> memref<10000xi32, #tpu.memory_space<hbm>>
      %dma_wait3A_35 = arith.constant 0 : i32
      %dma_wait3A_36 = tpu.memref_slice %arg3[%add3A, %dma_wait3A_35] : memref<32x10000xi32, #tpu.memory_space<hbm>> -> memref<1x10000xi32, #tpu.memory_space<hbm>>
      %dma_wait3A_37 = tpu.memref_squeeze %dma_wait3A_36 : memref<1x10000xi32, #tpu.memory_space<hbm>> -> memref<10000xi32, #tpu.memory_space<hbm>>
      tpu.wait_dma2 semaphore(%run_scoped3A_25 : memref<!tpu.dma_semaphore, #tpu.memory_space<semaphore_mem>>) src(%dma_wait3A_37 : memref<10000xi32, #tpu.memory_space<hbm>>) dst(%arg7 : memref<10000xi32, #tpu.memory_space<vmem>>)
      tpu.yield
    }) : () -> ()
    "tpu.region"() ({
      %run_scoped3A_25 = tpu.sem_alloc : memref<!tpu.dma_semaphore, #tpu.memory_space<semaphore_mem>>
      %dma_start3A_26 = arith.constant 0 : i32
      %dma_start3A_27 = arith.constant 0 : i32
      %dma_start3A_28 = tpu.memref_slice %arg4[%add3A, %dma_start3A_26, %dma_start3A_27] : memref<32x125x80xi32, #tpu.memory_space<hbm>> -> memref<1x125x80xi32, #tpu.memory_space<hbm>>
      %dma_start3A_29 = tpu.memref_squeeze %dma_start3A_28 : memref<1x125x80xi32, #tpu.memory_space<hbm>> -> memref<125x80xi32, #tpu.memory_space<hbm>>
      %dma_start3A_30 = arith.constant 0 : i32
      %dma_start3A_31 = arith.constant 0 : i32
      %dma_start3A_32 = tpu.memref_slice %arg4[%add3A, %dma_start3A_30, %dma_start3A_31] : memref<32x125x80xi32, #tpu.memory_space<hbm>> -> memref<1x125x80xi32, #tpu.memory_space<hbm>>
      %dma_start3A_33 = tpu.memref_squeeze %dma_start3A_32 : memref<1x125x80xi32, #tpu.memory_space<hbm>> -> memref<125x80xi32, #tpu.memory_space<hbm>>
      tpu.enqueue_dma source(%dma_start3A_33 : memref<125x80xi32, #tpu.memory_space<hbm>>) target(%arg8 : memref<125x80xi32, #tpu.memory_space<vmem>>) target_semaphore(%run_scoped3A_25 : memref<!tpu.dma_semaphore, #tpu.memory_space<semaphore_mem>>)
      %dma_wait3A_34 = arith.constant 0 : i32
      %dma_wait3A_35 = arith.constant 0 : i32
      %dma_wait3A_36 = tpu.memref_slice %arg4[%add3A, %dma_wait3A_34, %dma_wait3A_35] : memref<32x125x80xi32, #tpu.memory_space<hbm>> -> memref<1x125x80xi32, #tpu.memory_space<hbm>>
      %dma_wait3A_37 = tpu.memref_squeeze %dma_wait3A_36 : memref<1x125x80xi32, #tpu.memory_space<hbm>> -> memref<125x80xi32, #tpu.memory_space<hbm>>
      %dma_wait3A_38 = arith.constant 0 : i32
      %dma_wait3A_39 = arith.constant 0 : i32
      %dma_wait3A_40 = tpu.memref_slice %arg4[%add3A, %dma_wait3A_38, %dma_wait3A_39] : memref<32x125x80xi32, #tpu.memory_space<hbm>> -> memref<1x125x80xi32, #tpu.memory_space<hbm>>
      %dma_wait3A_41 = tpu.memref_squeeze %dma_wait3A_40 : memref<1x125x80xi32, #tpu.memory_space<hbm>> -> memref<125x80xi32, #tpu.memory_space<hbm>>
      tpu.wait_dma2 semaphore(%run_scoped3A_25 : memref<!tpu.dma_semaphore, #tpu.memory_space<semaphore_mem>>) src(%dma_wait3A_41 : memref<125x80xi32, #tpu.memory_space<hbm>>) dst(%arg8 : memref<125x80xi32, #tpu.memory_space<vmem>>)
      tpu.yield
    }) : () -> ()
    %barrier3A = arith.constant 0 : index
    tpu.barrier barrier_id(%barrier3A)
    %dma_start3A = arith.constant 0 : i32
    %dma_start3A_3 = tpu.memref_slice %arg7[%dma_start3A] : memref<10000xi32, #tpu.memory_space<vmem>> -> memref<80xi32, #tpu.memory_space<vmem>>
    %dma_start3A_4 = arith.constant 0 : i32
    %dma_start3A_5 = arith.constant 0 : i32
    %dma_start3A_6 = tpu.memref_slice %arg2[%dma_start3A_4, %dma_start3A_5] : memref<10000x128xf32, #tpu.memory_space<hbm>> -> memref<10000x128xf32, #tpu.memory_space<hbm>>
    tpu.enqueue_indirect_dma source(%dma_start3A_6 : memref<10000x128xf32, #tpu.memory_space<hbm>>) target(%arg9 : memref<80x128xf32, #tpu.memory_space<vmem>>) offsets(%dma_start3A_3 : memref<80xi32, #tpu.memory_space<vmem>>) semaphore(%arg11 : memref<!tpu.dma_semaphore, #tpu.memory_space<semaphore_mem>>)
    %dma_start3A_7 = arith.constant 80 : i32
    %dma_start3A_8 = tpu.memref_slice %arg7[%dma_start3A_7] : memref<10000xi32, #tpu.memory_space<vmem>> -> memref<80xi32, #tpu.memory_space<vmem>>
    %dma_start3A_9 = arith.constant 0 : i32
    %dma_start3A_10 = arith.constant 0 : i32
    %dma_start3A_11 = tpu.memref_slice %arg2[%dma_start3A_9, %dma_start3A_10] : memref<10000x128xf32, #tpu.memory_space<hbm>> -> memref<10000x128xf32, #tpu.memory_space<hbm>>
    tpu.enqueue_indirect_dma source(%dma_start3A_11 : memref<10000x128xf32, #tpu.memory_space<hbm>>) target(%arg10 : memref<80x128xf32, #tpu.memory_space<vmem>>) offsets(%dma_start3A_8 : memref<80xi32, #tpu.memory_space<vmem>>) semaphore(%arg12 : memref<!tpu.dma_semaphore, #tpu.memory_space<semaphore_mem>>)
    %scan3A = arith.constant 0 : i32
    %scan3A_12 = arith.constant 0 : i32
    %scan3A_13 = arith.constant 62 : i32
    %scan3A_14 = arith.addi %scan3A_12, %scan3A_13 : i32
    %scan3A_15 = arith.constant 1 : i32
    %scan3A_16 = scf.for %scan3A_25 = %scan3A_12 to %scan3A_14 step %scan3A_15 iter_args(%scan3A_26 = %scan3A) -> (i32)  : i32 {
      %mul3A_27 = arith.constant 2 : i32
      %mul3A_28 = arith.muli %scan3A_25, %mul3A_27 : i32
      %add3A_29 = arith.constant 0 : i32
      %add3A_30 = arith.addi %mul3A_28, %add3A_29 : i32
      %mul3A_31 = arith.constant 80 : i32
      %mul3A_32 = arith.muli %add3A_30, %mul3A_31 : i32
      %dma_wait3A_33 = tpu.memref_slice %arg7[%mul3A_32] : memref<10000xi32, #tpu.memory_space<vmem>> -> memref<80xi32, #tpu.memory_space<vmem>>
      %dma_wait3A_34 = arith.constant 0 : i32
      %dma_wait3A_35 = arith.constant 0 : i32
      %dma_wait3A_36 = tpu.memref_slice %arg2[%dma_wait3A_34, %dma_wait3A_35] : memref<10000x128xf32, #tpu.memory_space<hbm>> -> memref<10000x128xf32, #tpu.memory_space<hbm>>
      tpu.wait_indirect_dma semaphore(%arg11 : memref<!tpu.dma_semaphore, #tpu.memory_space<semaphore_mem>>) src(%dma_wait3A_36 : memref<10000x128xf32, #tpu.memory_space<hbm>>) dst(%arg9 : memref<80x128xf32, #tpu.memory_space<vmem>>)
      "tpu.region"() ({
        %run_scoped3A_57 = tpu.sem_alloc : memref<!tpu.dma_semaphore, #tpu.memory_space<semaphore_mem>>
        %dma_start3A_58 = arith.constant 0 : i32
        %dma_start3A_59 = tpu.memref_slice %arg8[%add3A_30, %dma_start3A_58] : memref<125x80xi32, #tpu.memory_space<vmem>> -> memref<1x80xi32, #tpu.memory_space<vmem>>
        %dma_start3A_60 = tpu.memref_squeeze %dma_start3A_59 : memref<1x80xi32, #tpu.memory_space<vmem>> -> memref<80xi32, #tpu.memory_space<vmem>>
        %dma_start3A_61 = arith.constant 0 : i32
        %dma_start3A_62 = arith.constant 0 : i32
        %dma_start3A_63 = tpu.memref_slice %arg13[%dma_start3A_61, %dma_start3A_62] : memref<10000x128xf32, #tpu.memory_space<vmem_shared>> -> memref<10000x128xf32, #tpu.memory_space<vmem_shared>>
        tpu.enqueue_indirect_dma source(%arg9 : memref<80x128xf32, #tpu.memory_space<vmem>>) target(%dma_start3A_63 : memref<10000x128xf32, #tpu.memory_space<vmem_shared>>) offsets(%dma_start3A_60 : memref<80xi32, #tpu.memory_space<vmem>>) semaphore(%run_scoped3A_57 : memref<!tpu.dma_semaphore, #tpu.memory_space<semaphore_mem>>) {add = true}
        %dma_wait3A_64 = arith.constant 0 : i32
        %dma_wait3A_65 = tpu.memref_slice %arg8[%add3A_30, %dma_wait3A_64] : memref<125x80xi32, #tpu.memory_space<vmem>> -> memref<1x80xi32, #tpu.memory_space<vmem>>
        %dma_wait3A_66 = tpu.memref_squeeze %dma_wait3A_65 : memref<1x80xi32, #tpu.memory_space<vmem>> -> memref<80xi32, #tpu.memory_space<vmem>>
        %dma_wait3A_67 = arith.constant 0 : i32
        %dma_wait3A_68 = arith.constant 0 : i32
        %dma_wait3A_69 = tpu.memref_slice %arg13[%dma_wait3A_67, %dma_wait3A_68] : memref<10000x128xf32, #tpu.memory_space<vmem_shared>> -> memref<10000x128xf32, #tpu.memory_space<vmem_shared>>
        tpu.wait_indirect_dma semaphore(%run_scoped3A_57 : memref<!tpu.dma_semaphore, #tpu.memory_space<semaphore_mem>>) src(%arg9 : memref<80x128xf32, #tpu.memory_space<vmem>>) dst(%dma_wait3A_69 : memref<10000x128xf32, #tpu.memory_space<vmem_shared>>)
        tpu.yield
      }) : () -> ()
      %add3A_37 = arith.constant 2 : i32
      %add3A_38 = arith.addi %add3A_30, %add3A_37 : i32
      %lt3A = arith.constant 125 : i32
      %lt3A_39 = arith.cmpi slt, %add3A_38, %lt3A : i32
      %convert_element_type3A = arith.extui %lt3A_39 : i1 to i32
      %cond3A = arith.constant 0 : i32
      %cond3A_40 = arith.cmpi ne, %convert_element_type3A, %cond3A : i32
      scf.if %cond3A_40 {
        %add3A_57 = arith.constant 2 : i32
        %add3A_58 = arith.addi %add3A_30, %add3A_57 : i32
        %mul3A_59 = arith.constant 80 : i32
        %mul3A_60 = arith.muli %add3A_58, %mul3A_59 : i32
        %dma_start3A_61 = tpu.memref_slice %arg7[%mul3A_60] : memref<10000xi32, #tpu.memory_space<vmem>> -> memref<80xi32, #tpu.memory_space<vmem>>
        %dma_start3A_62 = arith.constant 0 : i32
        %dma_start3A_63 = arith.constant 0 : i32
        %dma_start3A_64 = tpu.memref_slice %arg2[%dma_start3A_62, %dma_start3A_63] : memref<10000x128xf32, #tpu.memory_space<hbm>> -> memref<10000x128xf32, #tpu.memory_space<hbm>>
        tpu.enqueue_indirect_dma source(%dma_start3A_64 : memref<10000x128xf32, #tpu.memory_space<hbm>>) target(%arg9 : memref<80x128xf32, #tpu.memory_space<vmem>>) offsets(%dma_start3A_61 : memref<80xi32, #tpu.memory_space<vmem>>) semaphore(%arg11 : memref<!tpu.dma_semaphore, #tpu.memory_space<semaphore_mem>>)
      } else {
      }
      %add3A_41 = arith.constant 1 : i32
      %add3A_42 = arith.addi %mul3A_28, %add3A_41 : i32
      %mul3A_43 = arith.constant 80 : i32
      %mul3A_44 = arith.muli %add3A_42, %mul3A_43 : i32
      %dma_wait3A_45 = tpu.memref_slice %arg7[%mul3A_44] : memref<10000xi32, #tpu.memory_space<vmem>> -> memref<80xi32, #tpu.memory_space<vmem>>
      %dma_wait3A_46 = arith.constant 0 : i32
      %dma_wait3A_47 = arith.constant 0 : i32
      %dma_wait3A_48 = tpu.memref_slice %arg2[%dma_wait3A_46, %dma_wait3A_47] : memref<10000x128xf32, #tpu.memory_space<hbm>> -> memref<10000x128xf32, #tpu.memory_space<hbm>>
      tpu.wait_indirect_dma semaphore(%arg12 : memref<!tpu.dma_semaphore, #tpu.memory_space<semaphore_mem>>) src(%dma_wait3A_48 : memref<10000x128xf32, #tpu.memory_space<hbm>>) dst(%arg10 : memref<80x128xf32, #tpu.memory_space<vmem>>)
      "tpu.region"() ({
        %run_scoped3A_57 = tpu.sem_alloc : memref<!tpu.dma_semaphore, #tpu.memory_space<semaphore_mem>>
        %dma_start3A_58 = arith.constant 0 : i32
        %dma_start3A_59 = tpu.memref_slice %arg8[%add3A_42, %dma_start3A_58] : memref<125x80xi32, #tpu.memory_space<vmem>> -> memref<1x80xi32, #tpu.memory_space<vmem>>
        %dma_start3A_60 = tpu.memref_squeeze %dma_start3A_59 : memref<1x80xi32, #tpu.memory_space<vmem>> -> memref<80xi32, #tpu.memory_space<vmem>>
        %dma_start3A_61 = arith.constant 0 : i32
        %dma_start3A_62 = arith.constant 0 : i32
        %dma_start3A_63 = tpu.memref_slice %arg13[%dma_start3A_61, %dma_start3A_62] : memref<10000x128xf32, #tpu.memory_space<vmem_shared>> -> memref<10000x128xf32, #tpu.memory_space<vmem_shared>>
        tpu.enqueue_indirect_dma source(%arg10 : memref<80x128xf32, #tpu.memory_space<vmem>>) target(%dma_start3A_63 : memref<10000x128xf32, #tpu.memory_space<vmem_shared>>) offsets(%dma_start3A_60 : memref<80xi32, #tpu.memory_space<vmem>>) semaphore(%run_scoped3A_57 : memref<!tpu.dma_semaphore, #tpu.memory_space<semaphore_mem>>) {add = true}
        %dma_wait3A_64 = arith.constant 0 : i32
        %dma_wait3A_65 = tpu.memref_slice %arg8[%add3A_42, %dma_wait3A_64] : memref<125x80xi32, #tpu.memory_space<vmem>> -> memref<1x80xi32, #tpu.memory_space<vmem>>
        %dma_wait3A_66 = tpu.memref_squeeze %dma_wait3A_65 : memref<1x80xi32, #tpu.memory_space<vmem>> -> memref<80xi32, #tpu.memory_space<vmem>>
        %dma_wait3A_67 = arith.constant 0 : i32
        %dma_wait3A_68 = arith.constant 0 : i32
        %dma_wait3A_69 = tpu.memref_slice %arg13[%dma_wait3A_67, %dma_wait3A_68] : memref<10000x128xf32, #tpu.memory_space<vmem_shared>> -> memref<10000x128xf32, #tpu.memory_space<vmem_shared>>
        tpu.wait_indirect_dma semaphore(%run_scoped3A_57 : memref<!tpu.dma_semaphore, #tpu.memory_space<semaphore_mem>>) src(%arg10 : memref<80x128xf32, #tpu.memory_space<vmem>>) dst(%dma_wait3A_69 : memref<10000x128xf32, #tpu.memory_space<vmem_shared>>)
        tpu.yield
      }) : () -> ()
      %add3A_49 = arith.constant 2 : i32
      %add3A_50 = arith.addi %add3A_42, %add3A_49 : i32
      %lt3A_51 = arith.constant 125 : i32
      %lt3A_52 = arith.cmpi slt, %add3A_50, %lt3A_51 : i32
      %convert_element_type3A_53 = arith.extui %lt3A_52 : i1 to i32
      %cond3A_54 = arith.constant 0 : i32
      %cond3A_55 = arith.cmpi ne, %convert_element_type3A_53, %cond3A_54 : i32
      scf.if %cond3A_55 {
        %add3A_57 = arith.constant 2 : i32
        %add3A_58 = arith.addi %add3A_42, %add3A_57 : i32
        %mul3A_59 = arith.constant 80 : i32
        %mul3A_60 = arith.muli %add3A_58, %mul3A_59 : i32
        %dma_start3A_61 = tpu.memref_slice %arg7[%mul3A_60] : memref<10000xi32, #tpu.memory_space<vmem>> -> memref<80xi32, #tpu.memory_space<vmem>>
        %dma_start3A_62 = arith.constant 0 : i32
        %dma_start3A_63 = arith.constant 0 : i32
        %dma_start3A_64 = tpu.memref_slice %arg2[%dma_start3A_62, %dma_start3A_63] : memref<10000x128xf32, #tpu.memory_space<hbm>> -> memref<10000x128xf32, #tpu.memory_space<hbm>>
        tpu.enqueue_indirect_dma source(%dma_start3A_64 : memref<10000x128xf32, #tpu.memory_space<hbm>>) target(%arg10 : memref<80x128xf32, #tpu.memory_space<vmem>>) offsets(%dma_start3A_61 : memref<80xi32, #tpu.memory_space<vmem>>) semaphore(%arg12 : memref<!tpu.dma_semaphore, #tpu.memory_space<semaphore_mem>>)
      } else {
      }
      %scan3A_56 = arith.constant 0 : i32
      scf.yield %scan3A_56 : i32
    }
    %scan3A_17 = arith.constant 62 : i32
    %dma_wait3A = arith.constant 9920 : i32
    %dma_wait3A_18 = tpu.memref_slice %arg7[%dma_wait3A] : memref<10000xi32, #tpu.memory_space<vmem>> -> memref<80xi32, #tpu.memory_space<vmem>>
    %dma_wait3A_19 = arith.constant 0 : i32
    %dma_wait3A_20 = arith.constant 0 : i32
    %dma_wait3A_21 = tpu.memref_slice %arg2[%dma_wait3A_19, %dma_wait3A_20] : memref<10000x128xf32, #tpu.memory_space<hbm>> -> memref<10000x128xf32, #tpu.memory_space<hbm>>
    tpu.wait_indirect_dma semaphore(%arg11 : memref<!tpu.dma_semaphore, #tpu.memory_space<semaphore_mem>>) src(%dma_wait3A_21 : memref<10000x128xf32, #tpu.memory_space<hbm>>) dst(%arg9 : memref<80x128xf32, #tpu.memory_space<vmem>>)
    %run_scoped3A = arith.constant 124 : i32
    "tpu.region"() ({
      %run_scoped3A_25 = tpu.sem_alloc : memref<!tpu.dma_semaphore, #tpu.memory_space<semaphore_mem>>
      %dma_start3A_26 = arith.constant 0 : i32
      %dma_start3A_27 = tpu.memref_slice %arg8[%run_scoped3A, %dma_start3A_26] : memref<125x80xi32, #tpu.memory_space<vmem>> -> memref<1x80xi32, #tpu.memory_space<vmem>>
      %dma_start3A_28 = tpu.memref_squeeze %dma_start3A_27 : memref<1x80xi32, #tpu.memory_space<vmem>> -> memref<80xi32, #tpu.memory_space<vmem>>
      %dma_start3A_29 = arith.constant 0 : i32
      %dma_start3A_30 = arith.constant 0 : i32
      %dma_start3A_31 = tpu.memref_slice %arg13[%dma_start3A_29, %dma_start3A_30] : memref<10000x128xf32, #tpu.memory_space<vmem_shared>> -> memref<10000x128xf32, #tpu.memory_space<vmem_shared>>
      tpu.enqueue_indirect_dma source(%arg9 : memref<80x128xf32, #tpu.memory_space<vmem>>) target(%dma_start3A_31 : memref<10000x128xf32, #tpu.memory_space<vmem_shared>>) offsets(%dma_start3A_28 : memref<80xi32, #tpu.memory_space<vmem>>) semaphore(%run_scoped3A_25 : memref<!tpu.dma_semaphore, #tpu.memory_space<semaphore_mem>>) {add = true}
      %dma_wait3A_32 = arith.constant 0 : i32
      %dma_wait3A_33 = tpu.memref_slice %arg8[%run_scoped3A, %dma_wait3A_32] : memref<125x80xi32, #tpu.memory_space<vmem>> -> memref<1x80xi32, #tpu.memory_space<vmem>>
      %dma_wait3A_34 = tpu.memref_squeeze %dma_wait3A_33 : memref<1x80xi32, #tpu.memory_space<vmem>> -> memref<80xi32, #tpu.memory_space<vmem>>
      %dma_wait3A_35 = arith.constant 0 : i32
      %dma_wait3A_36 = arith.constant 0 : i32
      %dma_wait3A_37 = tpu.memref_slice %arg13[%dma_wait3A_35, %dma_wait3A_36] : memref<10000x128xf32, #tpu.memory_space<vmem_shared>> -> memref<10000x128xf32, #tpu.memory_space<vmem_shared>>
      tpu.wait_indirect_dma semaphore(%run_scoped3A_25 : memref<!tpu.dma_semaphore, #tpu.memory_space<semaphore_mem>>) src(%arg9 : memref<80x128xf32, #tpu.memory_space<vmem>>) dst(%dma_wait3A_37 : memref<10000x128xf32, #tpu.memory_space<vmem_shared>>)
      tpu.yield
    }) : () -> ()
    %barrier3A_22 = arith.constant 0 : index
    tpu.barrier barrier_id(%barrier3A_22)
    %mul3A_23 = arith.constant 625 : i32
    %mul3A_24 = arith.muli %arg1, %mul3A_23 : i32
    "tpu.region"() ({
      %run_scoped3A_25 = tpu.sem_alloc : memref<!tpu.dma_semaphore, #tpu.memory_space<semaphore_mem>>
      %dma_start3A_26 = arith.constant 0 : i32
      %dma_start3A_27 = arith.constant 0 : i32
      %dma_start3A_28 = tpu.memref_slice %arg6[%add3A, %dma_start3A_26, %dma_start3A_27] : memref<32x625x128xf32, #tpu.memory_space<hbm>> -> memref<1x625x128xf32, #tpu.memory_space<hbm>>
      %dma_start3A_29 = tpu.memref_squeeze %dma_start3A_28 : memref<1x625x128xf32, #tpu.memory_space<hbm>> -> memref<625x128xf32, #tpu.memory_space<hbm>>
      %dma_start3A_30 = arith.constant 0 : i32
      %dma_start3A_31 = tpu.memref_slice %arg13[%mul3A_24, %dma_start3A_30] : memref<10000x128xf32, #tpu.memory_space<vmem_shared>> -> memref<625x128xf32, #tpu.memory_space<vmem_shared>>
      tpu.enqueue_dma source(%dma_start3A_31 : memref<625x128xf32, #tpu.memory_space<vmem_shared>>) target(%dma_start3A_29 : memref<625x128xf32, #tpu.memory_space<hbm>>) target_semaphore(%run_scoped3A_25 : memref<!tpu.dma_semaphore, #tpu.memory_space<semaphore_mem>>)
      %dma_wait3A_32 = arith.constant 0 : i32
      %dma_wait3A_33 = arith.constant 0 : i32
      %dma_wait3A_34 = tpu.memref_slice %arg6[%add3A, %dma_wait3A_32, %dma_wait3A_33] : memref<32x625x128xf32, #tpu.memory_space<hbm>> -> memref<1x625x128xf32, #tpu.memory_space<hbm>>
      %dma_wait3A_35 = tpu.memref_squeeze %dma_wait3A_34 : memref<1x625x128xf32, #tpu.memory_space<hbm>> -> memref<625x128xf32, #tpu.memory_space<hbm>>
      %dma_wait3A_36 = arith.constant 0 : i32
      %dma_wait3A_37 = tpu.memref_slice %arg13[%mul3A_24, %dma_wait3A_36] : memref<10000x128xf32, #tpu.memory_space<vmem_shared>> -> memref<625x128xf32, #tpu.memory_space<vmem_shared>>
      tpu.wait_dma2 semaphore(%run_scoped3A_25 : memref<!tpu.dma_semaphore, #tpu.memory_space<semaphore_mem>>) src(%dma_wait3A_37 : memref<625x128xf32, #tpu.memory_space<vmem_shared>>) dst(%dma_wait3A_35 : memref<625x128xf32, #tpu.memory_space<hbm>>)
      tpu.yield
    }) : () -> ()
    return
  }
}

#map = affine_map<(d0, d1) -> (0, 0, 0)>
#map1 = affine_map<(d0, d1) -> (0, 0)>
module attributes {stable_mosaic.version = 14 : i64} {
  func.func @_deg_body(%arg0: i32, %arg1: i32, %arg2: memref<32x125x80xi32, #tpu.memory_space<hbm>>, %arg3: memref<625x128xf32, #tpu.memory_space<hbm>>, %arg4: memref<80x128xf32, #tpu.memory_space<hbm>>, %arg5: memref<32x625x128xf32, #tpu.memory_space<hbm>>, %arg6: memref<125x80xi32, #tpu.memory_space<vmem>>, %arg7: memref<80x128xf32, #tpu.memory_space<vmem>>, %arg8: memref<10000x128xf32, #tpu.memory_space<vmem_shared>>) attributes {dimension_semantics = [#tpu.dimension_semantics<core_parallel>, #tpu.dimension_semantics<subcore_parallel>], iteration_bounds = array<i64: 2, 16>, scalar_prefetch = 0 : i64, scratch_operands = 3 : i64, tpu.core_type = #tpu.core_type<sc_vector_subcore>, window_params = [{transform_indices = #map}, {transform_indices = #map1}, {transform_indices = #map1}, {transform_indices = #map}]} {
    %mul3A = arith.constant 16 : i32
    %mul3A_0 = arith.muli %arg0, %mul3A : i32
    %add3A = arith.addi %mul3A_0, %arg1 : i32
    %mul3A_1 = arith.constant 625 : i32
    %mul3A_2 = arith.muli %arg1, %mul3A_1 : i32
    "tpu.region"() ({
      %run_scoped3A = tpu.sem_alloc : memref<!tpu.dma_semaphore, #tpu.memory_space<semaphore_mem>>
      %dma_start3A = arith.constant 0 : i32
      %dma_start3A_12 = tpu.memref_slice %arg8[%mul3A_2, %dma_start3A] : memref<10000x128xf32, #tpu.memory_space<vmem_shared>> -> memref<625x128xf32, #tpu.memory_space<vmem_shared>>
      tpu.enqueue_dma source(%arg3 : memref<625x128xf32, #tpu.memory_space<hbm>>) target(%dma_start3A_12 : memref<625x128xf32, #tpu.memory_space<vmem_shared>>) target_semaphore(%run_scoped3A : memref<!tpu.dma_semaphore, #tpu.memory_space<semaphore_mem>>)
      %dma_wait3A = arith.constant 0 : i32
      %dma_wait3A_13 = tpu.memref_slice %arg8[%mul3A_2, %dma_wait3A] : memref<10000x128xf32, #tpu.memory_space<vmem_shared>> -> memref<625x128xf32, #tpu.memory_space<vmem_shared>>
      tpu.wait_dma2 semaphore(%run_scoped3A : memref<!tpu.dma_semaphore, #tpu.memory_space<semaphore_mem>>) src(%arg3 : memref<625x128xf32, #tpu.memory_space<hbm>>) dst(%dma_wait3A_13 : memref<625x128xf32, #tpu.memory_space<vmem_shared>>)
      tpu.yield
    }) : () -> ()
    "tpu.region"() ({
      %run_scoped3A = tpu.sem_alloc : memref<!tpu.dma_semaphore, #tpu.memory_space<semaphore_mem>>
      %dma_start3A = arith.constant 0 : i32
      %dma_start3A_12 = arith.constant 0 : i32
      %dma_start3A_13 = tpu.memref_slice %arg2[%add3A, %dma_start3A, %dma_start3A_12] : memref<32x125x80xi32, #tpu.memory_space<hbm>> -> memref<1x125x80xi32, #tpu.memory_space<hbm>>
      %dma_start3A_14 = tpu.memref_squeeze %dma_start3A_13 : memref<1x125x80xi32, #tpu.memory_space<hbm>> -> memref<125x80xi32, #tpu.memory_space<hbm>>
      %dma_start3A_15 = arith.constant 0 : i32
      %dma_start3A_16 = arith.constant 0 : i32
      %dma_start3A_17 = tpu.memref_slice %arg2[%add3A, %dma_start3A_15, %dma_start3A_16] : memref<32x125x80xi32, #tpu.memory_space<hbm>> -> memref<1x125x80xi32, #tpu.memory_space<hbm>>
      %dma_start3A_18 = tpu.memref_squeeze %dma_start3A_17 : memref<1x125x80xi32, #tpu.memory_space<hbm>> -> memref<125x80xi32, #tpu.memory_space<hbm>>
      tpu.enqueue_dma source(%dma_start3A_18 : memref<125x80xi32, #tpu.memory_space<hbm>>) target(%arg6 : memref<125x80xi32, #tpu.memory_space<vmem>>) target_semaphore(%run_scoped3A : memref<!tpu.dma_semaphore, #tpu.memory_space<semaphore_mem>>)
      %dma_wait3A = arith.constant 0 : i32
      %dma_wait3A_19 = arith.constant 0 : i32
      %dma_wait3A_20 = tpu.memref_slice %arg2[%add3A, %dma_wait3A, %dma_wait3A_19] : memref<32x125x80xi32, #tpu.memory_space<hbm>> -> memref<1x125x80xi32, #tpu.memory_space<hbm>>
      %dma_wait3A_21 = tpu.memref_squeeze %dma_wait3A_20 : memref<1x125x80xi32, #tpu.memory_space<hbm>> -> memref<125x80xi32, #tpu.memory_space<hbm>>
      %dma_wait3A_22 = arith.constant 0 : i32
      %dma_wait3A_23 = arith.constant 0 : i32
      %dma_wait3A_24 = tpu.memref_slice %arg2[%add3A, %dma_wait3A_22, %dma_wait3A_23] : memref<32x125x80xi32, #tpu.memory_space<hbm>> -> memref<1x125x80xi32, #tpu.memory_space<hbm>>
      %dma_wait3A_25 = tpu.memref_squeeze %dma_wait3A_24 : memref<1x125x80xi32, #tpu.memory_space<hbm>> -> memref<125x80xi32, #tpu.memory_space<hbm>>
      tpu.wait_dma2 semaphore(%run_scoped3A : memref<!tpu.dma_semaphore, #tpu.memory_space<semaphore_mem>>) src(%dma_wait3A_25 : memref<125x80xi32, #tpu.memory_space<hbm>>) dst(%arg6 : memref<125x80xi32, #tpu.memory_space<vmem>>)
      tpu.yield
    }) : () -> ()
    "tpu.region"() ({
      %run_scoped3A = tpu.sem_alloc : memref<!tpu.dma_semaphore, #tpu.memory_space<semaphore_mem>>
      tpu.enqueue_dma source(%arg4 : memref<80x128xf32, #tpu.memory_space<hbm>>) target(%arg7 : memref<80x128xf32, #tpu.memory_space<vmem>>) target_semaphore(%run_scoped3A : memref<!tpu.dma_semaphore, #tpu.memory_space<semaphore_mem>>)
      tpu.wait_dma2 semaphore(%run_scoped3A : memref<!tpu.dma_semaphore, #tpu.memory_space<semaphore_mem>>) src(%arg4 : memref<80x128xf32, #tpu.memory_space<hbm>>) dst(%arg7 : memref<80x128xf32, #tpu.memory_space<vmem>>)
      tpu.yield
    }) : () -> ()
    %barrier3A = arith.constant 0 : index
    tpu.barrier barrier_id(%barrier3A)
    %scan3A = arith.constant 0 : i32
    %scan3A_3 = arith.constant 0 : i32
    %scan3A_4 = arith.constant 125 : i32
    %scan3A_5 = arith.addi %scan3A_3, %scan3A_4 : i32
    %scan3A_6 = arith.constant 1 : i32
    %scan3A_7 = scf.for %scan3A_12 = %scan3A_3 to %scan3A_5 step %scan3A_6 iter_args(%scan3A_13 = %scan3A) -> (i32)  : i32 {
      "tpu.region"() ({
        %run_scoped3A = tpu.sem_alloc : memref<!tpu.dma_semaphore, #tpu.memory_space<semaphore_mem>>
        %dma_start3A = arith.constant 0 : i32
        %dma_start3A_15 = tpu.memref_slice %arg6[%scan3A_12, %dma_start3A] : memref<125x80xi32, #tpu.memory_space<vmem>> -> memref<1x80xi32, #tpu.memory_space<vmem>>
        %dma_start3A_16 = tpu.memref_squeeze %dma_start3A_15 : memref<1x80xi32, #tpu.memory_space<vmem>> -> memref<80xi32, #tpu.memory_space<vmem>>
        %dma_start3A_17 = arith.constant 0 : i32
        %dma_start3A_18 = arith.constant 0 : i32
        %dma_start3A_19 = tpu.memref_slice %arg8[%dma_start3A_17, %dma_start3A_18] : memref<10000x128xf32, #tpu.memory_space<vmem_shared>> -> memref<10000x128xf32, #tpu.memory_space<vmem_shared>>
        tpu.enqueue_indirect_dma source(%arg7 : memref<80x128xf32, #tpu.memory_space<vmem>>) target(%dma_start3A_19 : memref<10000x128xf32, #tpu.memory_space<vmem_shared>>) offsets(%dma_start3A_16 : memref<80xi32, #tpu.memory_space<vmem>>) semaphore(%run_scoped3A : memref<!tpu.dma_semaphore, #tpu.memory_space<semaphore_mem>>) {add = true}
        %dma_wait3A = arith.constant 0 : i32
        %dma_wait3A_20 = tpu.memref_slice %arg6[%scan3A_12, %dma_wait3A] : memref<125x80xi32, #tpu.memory_space<vmem>> -> memref<1x80xi32, #tpu.memory_space<vmem>>
        %dma_wait3A_21 = tpu.memref_squeeze %dma_wait3A_20 : memref<1x80xi32, #tpu.memory_space<vmem>> -> memref<80xi32, #tpu.memory_space<vmem>>
        %dma_wait3A_22 = arith.constant 0 : i32
        %dma_wait3A_23 = arith.constant 0 : i32
        %dma_wait3A_24 = tpu.memref_slice %arg8[%dma_wait3A_22, %dma_wait3A_23] : memref<10000x128xf32, #tpu.memory_space<vmem_shared>> -> memref<10000x128xf32, #tpu.memory_space<vmem_shared>>
        tpu.wait_indirect_dma semaphore(%run_scoped3A : memref<!tpu.dma_semaphore, #tpu.memory_space<semaphore_mem>>) src(%arg7 : memref<80x128xf32, #tpu.memory_space<vmem>>) dst(%dma_wait3A_24 : memref<10000x128xf32, #tpu.memory_space<vmem_shared>>)
        tpu.yield
      }) : () -> ()
      %scan3A_14 = arith.constant 0 : i32
      scf.yield %scan3A_14 : i32
    }
    %scan3A_8 = arith.constant 125 : i32
    %barrier3A_9 = arith.constant 0 : index
    tpu.barrier barrier_id(%barrier3A_9)
    %mul3A_10 = arith.constant 625 : i32
    %mul3A_11 = arith.muli %arg1, %mul3A_10 : i32
    "tpu.region"() ({
      %run_scoped3A = tpu.sem_alloc : memref<!tpu.dma_semaphore, #tpu.memory_space<semaphore_mem>>
      %dma_start3A = arith.constant 0 : i32
      %dma_start3A_12 = arith.constant 0 : i32
      %dma_start3A_13 = tpu.memref_slice %arg5[%add3A, %dma_start3A, %dma_start3A_12] : memref<32x625x128xf32, #tpu.memory_space<hbm>> -> memref<1x625x128xf32, #tpu.memory_space<hbm>>
      %dma_start3A_14 = tpu.memref_squeeze %dma_start3A_13 : memref<1x625x128xf32, #tpu.memory_space<hbm>> -> memref<625x128xf32, #tpu.memory_space<hbm>>
      %dma_start3A_15 = arith.constant 0 : i32
      %dma_start3A_16 = tpu.memref_slice %arg8[%mul3A_11, %dma_start3A_15] : memref<10000x128xf32, #tpu.memory_space<vmem_shared>> -> memref<625x128xf32, #tpu.memory_space<vmem_shared>>
      tpu.enqueue_dma source(%dma_start3A_16 : memref<625x128xf32, #tpu.memory_space<vmem_shared>>) target(%dma_start3A_14 : memref<625x128xf32, #tpu.memory_space<hbm>>) target_semaphore(%run_scoped3A : memref<!tpu.dma_semaphore, #tpu.memory_space<semaphore_mem>>)
      %dma_wait3A = arith.constant 0 : i32
      %dma_wait3A_17 = arith.constant 0 : i32
      %dma_wait3A_18 = tpu.memref_slice %arg5[%add3A, %dma_wait3A, %dma_wait3A_17] : memref<32x625x128xf32, #tpu.memory_space<hbm>> -> memref<1x625x128xf32, #tpu.memory_space<hbm>>
      %dma_wait3A_19 = tpu.memref_squeeze %dma_wait3A_18 : memref<1x625x128xf32, #tpu.memory_space<hbm>> -> memref<625x128xf32, #tpu.memory_space<hbm>>
      %dma_wait3A_20 = arith.constant 0 : i32
      %dma_wait3A_21 = tpu.memref_slice %arg8[%mul3A_11, %dma_wait3A_20] : memref<10000x128xf32, #tpu.memory_space<vmem_shared>> -> memref<625x128xf32, #tpu.memory_space<vmem_shared>>
      tpu.wait_dma2 semaphore(%run_scoped3A : memref<!tpu.dma_semaphore, #tpu.memory_space<semaphore_mem>>) src(%dma_wait3A_21 : memref<625x128xf32, #tpu.memory_space<vmem_shared>>) dst(%dma_wait3A_19 : memref<625x128xf32, #tpu.memory_space<hbm>>)
      tpu.yield
    }) : () -> ()
    return
  }
}

module attributes {stable_mosaic.version = 14 : i64} {
  func.func @_mm1_body(%arg0: memref<10000x128xf32, #tpu.memory_space<vmem>>, %arg1: memref<128x128xf32, #tpu.memory_space<vmem>>, %arg2: memref<10000x1xf32, #tpu.memory_space<vmem>>, %arg3: memref<10000x1xf32, #tpu.memory_space<vmem>>, %arg4: memref<10000x128xf32, #tpu.memory_space<vmem>>, %arg5: memref<10000x1xf32, #tpu.memory_space<vmem>>) attributes {dimension_semantics = [], scalar_prefetch = 0 : i64, scratch_operands = 0 : i64, tpu.core_type = #tpu.core_type<tc>} {
    %get3A = arith.constant 0 : index
    %get3A_0 = arith.constant 0 : index
    %get3A_1 = vector.load %arg2[%get3A, %get3A_0] : memref<10000x1xf32, #tpu.memory_space<vmem>>, vector<10000x1xf32>
    %get3A_2 = arith.constant 0 : index
    %get3A_3 = arith.constant 0 : index
    %get3A_4 = vector.load %arg3[%get3A_2, %get3A_3] : memref<10000x1xf32, #tpu.memory_space<vmem>>, vector<10000x1xf32>
    %add3A = arith.addf %get3A_1, %get3A_4 : vector<10000x1xf32>
    %add3A_5 = arith.constant 1.000000e+00 : f32
    %add3A_6 = vector.broadcast %add3A_5 : f32 to vector<10000x1xf32>
    %add3A_7 = arith.addf %add3A, %add3A_6 : vector<10000x1xf32>
    %rsqrt3A = math.rsqrt %add3A_7 : vector<10000x1xf32>
    %swap3A = arith.constant 0 : index
    %swap3A_8 = arith.constant 0 : index
    %swap3A_9 = vector.load %arg5[%swap3A, %swap3A_8] : memref<10000x1xf32, #tpu.memory_space<vmem>>, vector<10000x1xf32>
    tpu.vector_store %arg5[%swap3A, %swap3A_8], %rsqrt3A {strides = array<i32>} : memref<10000x1xf32, #tpu.memory_space<vmem>>, vector<10000x1xf32>,
    %get3A_10 = arith.constant 0 : index
    %get3A_11 = arith.constant 0 : index
    %get3A_12 = vector.load %arg0[%get3A_10, %get3A_11] : memref<10000x128xf32, #tpu.memory_space<vmem>>, vector<10000x128xf32>
    %get3A_13 = arith.constant 0 : index
    %get3A_14 = arith.constant 0 : index
    %get3A_15 = vector.load %arg1[%get3A_13, %get3A_14] : memref<128x128xf32, #tpu.memory_space<vmem>>, vector<128x128xf32>
    %dot_general3A = arith.constant dense<0.000000e+00> : vector<10000x128xf32>
    %dot_general3A_16 = tpu.matmul %get3A_12, %get3A_15, %dot_general3A {dimension_numbers = #tpu.dot_dimension_numbers<[1], [0], [0], [1], [0, 0, 1, 1], [], []>, transpose_lhs_hint = false} : vector<10000x128xf32>, vector<128x128xf32>, vector<10000x128xf32> -> vector<10000x128xf32>
    %mul3A = vector.broadcast %rsqrt3A : vector<10000x1xf32> to vector<10000x128xf32>
    %mul3A_17 = arith.mulf %dot_general3A_16, %mul3A : vector<10000x128xf32>
    %swap3A_18 = arith.constant 0 : index
    %swap3A_19 = arith.constant 0 : index
    %swap3A_20 = vector.load %arg4[%swap3A_18, %swap3A_19] : memref<10000x128xf32, #tpu.memory_space<vmem>>, vector<10000x128xf32>
    tpu.vector_store %arg4[%swap3A_18, %swap3A_19], %mul3A_17 {strides = array<i32>} : memref<10000x128xf32, #tpu.memory_space<vmem>>, vector<10000x128xf32>,
    return
  }
}

module attributes {stable_mosaic.version = 14 : i64} {
  func.func @_bn_mm2_body(%arg0: memref<10000x128xf32, #tpu.memory_space<vmem>>, %arg1: memref<10000x128xf32, #tpu.memory_space<vmem>>, %arg2: memref<10000x128xf32, #tpu.memory_space<vmem>>, %arg3: memref<10000x1xf32, #tpu.memory_space<vmem>>, %arg4: memref<1x128xf32, #tpu.memory_space<vmem>>, %arg5: memref<1x128xf32, #tpu.memory_space<vmem>>, %arg6: memref<1x128xf32, #tpu.memory_space<vmem>>, %arg7: memref<128x128xf32, #tpu.memory_space<vmem>>, %arg8: memref<10000x128xf32, #tpu.memory_space<vmem>>) attributes {dimension_semantics = [], scalar_prefetch = 0 : i64, scratch_operands = 0 : i64, tpu.core_type = #tpu.core_type<tc>} {
    %get3A = arith.constant 0 : index
    %get3A_0 = arith.constant 0 : index
    %get3A_1 = vector.load %arg0[%get3A, %get3A_0] : memref<10000x128xf32, #tpu.memory_space<vmem>>, vector<10000x128xf32>
    %get3A_2 = arith.constant 0 : index
    %get3A_3 = arith.constant 0 : index
    %get3A_4 = vector.load %arg1[%get3A_2, %get3A_3] : memref<10000x128xf32, #tpu.memory_space<vmem>>, vector<10000x128xf32>
    %add3A = arith.addf %get3A_1, %get3A_4 : vector<10000x128xf32>
    %get3A_5 = arith.constant 0 : index
    %get3A_6 = arith.constant 0 : index
    %get3A_7 = vector.load %arg2[%get3A_5, %get3A_6] : memref<10000x128xf32, #tpu.memory_space<vmem>>, vector<10000x128xf32>
    %add3A_8 = arith.addf %add3A, %get3A_7 : vector<10000x128xf32>
    %get3A_9 = arith.constant 0 : index
    %get3A_10 = arith.constant 0 : index
    %get3A_11 = vector.load %arg3[%get3A_9, %get3A_10] : memref<10000x1xf32, #tpu.memory_space<vmem>>, vector<10000x1xf32>
    %mul3A = vector.broadcast %get3A_11 : vector<10000x1xf32> to vector<10000x128xf32>
    %mul3A_12 = arith.mulf %add3A_8, %mul3A : vector<10000x128xf32>
    %get3A_13 = arith.constant 0 : index
    %get3A_14 = arith.constant 0 : index
    %get3A_15 = vector.load %arg4[%get3A_13, %get3A_14] : memref<1x128xf32, #tpu.memory_space<vmem>>, vector<1x128xf32>
    %add3A_16 = vector.broadcast %get3A_15 : vector<1x128xf32> to vector<10000x128xf32>
    %add3A_17 = arith.addf %mul3A_12, %add3A_16 : vector<10000x128xf32>
    %reduce_sum3A = arith.constant dense<0.000000e+00> : vector<128xf32>
    %reduce_sum3A_18 = vector.multi_reduction <add>, %add3A_17, %reduce_sum3A [0] : vector<10000x128xf32> to vector<128xf32>
    %broadcast_in_dim3A = vector.shape_cast %reduce_sum3A_18 : vector<128xf32> to vector<1x128xf32>
    %div3A = arith.constant 1.000000e+04 : f32
    %div3A_19 = vector.broadcast %div3A : f32 to vector<1x128xf32>
    %div3A_20 = arith.divf %broadcast_in_dim3A, %div3A_19 : vector<1x128xf32>
    %sub3A = vector.broadcast %div3A_20 : vector<1x128xf32> to vector<10000x128xf32>
    %sub3A_21 = arith.subf %add3A_17, %sub3A : vector<10000x128xf32>
    %sub3A_22 = vector.broadcast %div3A_20 : vector<1x128xf32> to vector<10000x128xf32>
    %sub3A_23 = arith.subf %add3A_17, %sub3A_22 : vector<10000x128xf32>
    %mul3A_24 = arith.mulf %sub3A_21, %sub3A_23 : vector<10000x128xf32>
    %reduce_sum3A_25 = arith.constant dense<0.000000e+00> : vector<128xf32>
    %reduce_sum3A_26 = vector.multi_reduction <add>, %mul3A_24, %reduce_sum3A_25 [0] : vector<10000x128xf32> to vector<128xf32>
    %broadcast_in_dim3A_27 = vector.shape_cast %reduce_sum3A_26 : vector<128xf32> to vector<1x128xf32>
    %div3A_28 = arith.constant 1.000000e+04 : f32
    %div3A_29 = vector.broadcast %div3A_28 : f32 to vector<1x128xf32>
    %div3A_30 = arith.divf %broadcast_in_dim3A_27, %div3A_29 : vector<1x128xf32>
    %sub3A_31 = vector.broadcast %div3A_20 : vector<1x128xf32> to vector<10000x128xf32>
    %sub3A_32 = arith.subf %add3A_17, %sub3A_31 : vector<10000x128xf32>
    %add3A_33 = arith.constant 9.99999974E-6 : f32
    %add3A_34 = vector.broadcast %add3A_33 : f32 to vector<1x128xf32>
    %add3A_35 = arith.addf %div3A_30, %add3A_34 : vector<1x128xf32>
    %rsqrt3A = math.rsqrt %add3A_35 : vector<1x128xf32>
    %mul3A_36 = vector.broadcast %rsqrt3A : vector<1x128xf32> to vector<10000x128xf32>
    %mul3A_37 = arith.mulf %sub3A_32, %mul3A_36 : vector<10000x128xf32>
    %get3A_38 = arith.constant 0 : index
    %get3A_39 = arith.constant 0 : index
    %get3A_40 = vector.load %arg5[%get3A_38, %get3A_39] : memref<1x128xf32, #tpu.memory_space<vmem>>, vector<1x128xf32>
    %mul3A_41 = vector.broadcast %get3A_40 : vector<1x128xf32> to vector<10000x128xf32>
    %mul3A_42 = arith.mulf %mul3A_37, %mul3A_41 : vector<10000x128xf32>
    %get3A_43 = arith.constant 0 : index
    %get3A_44 = arith.constant 0 : index
    %get3A_45 = vector.load %arg6[%get3A_43, %get3A_44] : memref<1x128xf32, #tpu.memory_space<vmem>>, vector<1x128xf32>
    %add3A_46 = vector.broadcast %get3A_45 : vector<1x128xf32> to vector<10000x128xf32>
    %add3A_47 = arith.addf %mul3A_42, %add3A_46 : vector<10000x128xf32>
    %gt3A = arith.constant 0.000000e+00 : f32
    %gt3A_48 = vector.broadcast %gt3A : f32 to vector<10000x128xf32>
    %gt3A_49 = arith.cmpf ogt, %add3A_47, %gt3A_48 : vector<10000x128xf32>
    %min3A = arith.constant 0.000000e+00 : f32
    %min3A_50 = vector.broadcast %min3A : f32 to vector<10000x128xf32>
    %min3A_51 = arith.minimumf %add3A_47, %min3A_50 : vector<10000x128xf32>
    %exp3A = math.exp %min3A_51 : vector<10000x128xf32>
    %sub3A_52 = arith.constant 1.000000e+00 : f32
    %sub3A_53 = vector.broadcast %sub3A_52 : f32 to vector<10000x128xf32>
    %sub3A_54 = arith.subf %exp3A, %sub3A_53 : vector<10000x128xf32>
    %select_n3A = arith.select %gt3A_49, %add3A_47, %sub3A_54 : vector<10000x128xi1>, vector<10000x128xf32>
    %get3A_55 = arith.constant 0 : index
    %get3A_56 = arith.constant 0 : index
    %get3A_57 = vector.load %arg7[%get3A_55, %get3A_56] : memref<128x128xf32, #tpu.memory_space<vmem>>, vector<128x128xf32>
    %dot_general3A = arith.constant dense<0.000000e+00> : vector<10000x128xf32>
    %dot_general3A_58 = tpu.matmul %select_n3A, %get3A_57, %dot_general3A {dimension_numbers = #tpu.dot_dimension_numbers<[1], [0], [0], [1], [0, 0, 1, 1], [], []>, transpose_lhs_hint = false} : vector<10000x128xf32>, vector<128x128xf32>, vector<10000x128xf32> -> vector<10000x128xf32>
    %get3A_59 = arith.constant 0 : index
    %get3A_60 = arith.constant 0 : index
    %get3A_61 = vector.load %arg3[%get3A_59, %get3A_60] : memref<10000x1xf32, #tpu.memory_space<vmem>>, vector<10000x1xf32>
    %mul3A_62 = vector.broadcast %get3A_61 : vector<10000x1xf32> to vector<10000x128xf32>
    %mul3A_63 = arith.mulf %dot_general3A_58, %mul3A_62 : vector<10000x128xf32>
    %swap3A = arith.constant 0 : index
    %swap3A_64 = arith.constant 0 : index
    %swap3A_65 = vector.load %arg8[%swap3A, %swap3A_64] : memref<10000x128xf32, #tpu.memory_space<vmem>>, vector<10000x128xf32>
    tpu.vector_store %arg8[%swap3A, %swap3A_64], %mul3A_63 {strides = array<i32>} : memref<10000x128xf32, #tpu.memory_space<vmem>>, vector<10000x128xf32>,
    return
  }
}

module attributes {stable_mosaic.version = 14 : i64} {
  func.func @_bn_body(%arg0: memref<10000x128xf32, #tpu.memory_space<vmem>>, %arg1: memref<10000x128xf32, #tpu.memory_space<vmem>>, %arg2: memref<10000x128xf32, #tpu.memory_space<vmem>>, %arg3: memref<10000x1xf32, #tpu.memory_space<vmem>>, %arg4: memref<1x128xf32, #tpu.memory_space<vmem>>, %arg5: memref<1x128xf32, #tpu.memory_space<vmem>>, %arg6: memref<1x128xf32, #tpu.memory_space<vmem>>, %arg7: memref<10000x128xf32, #tpu.memory_space<vmem>>) attributes {dimension_semantics = [], scalar_prefetch = 0 : i64, scratch_operands = 0 : i64, tpu.core_type = #tpu.core_type<tc>} {
    %get3A = arith.constant 0 : index
    %get3A_0 = arith.constant 0 : index
    %get3A_1 = vector.load %arg0[%get3A, %get3A_0] : memref<10000x128xf32, #tpu.memory_space<vmem>>, vector<10000x128xf32>
    %get3A_2 = arith.constant 0 : index
    %get3A_3 = arith.constant 0 : index
    %get3A_4 = vector.load %arg1[%get3A_2, %get3A_3] : memref<10000x128xf32, #tpu.memory_space<vmem>>, vector<10000x128xf32>
    %add3A = arith.addf %get3A_1, %get3A_4 : vector<10000x128xf32>
    %get3A_5 = arith.constant 0 : index
    %get3A_6 = arith.constant 0 : index
    %get3A_7 = vector.load %arg2[%get3A_5, %get3A_6] : memref<10000x128xf32, #tpu.memory_space<vmem>>, vector<10000x128xf32>
    %add3A_8 = arith.addf %add3A, %get3A_7 : vector<10000x128xf32>
    %get3A_9 = arith.constant 0 : index
    %get3A_10 = arith.constant 0 : index
    %get3A_11 = vector.load %arg3[%get3A_9, %get3A_10] : memref<10000x1xf32, #tpu.memory_space<vmem>>, vector<10000x1xf32>
    %mul3A = vector.broadcast %get3A_11 : vector<10000x1xf32> to vector<10000x128xf32>
    %mul3A_12 = arith.mulf %add3A_8, %mul3A : vector<10000x128xf32>
    %get3A_13 = arith.constant 0 : index
    %get3A_14 = arith.constant 0 : index
    %get3A_15 = vector.load %arg4[%get3A_13, %get3A_14] : memref<1x128xf32, #tpu.memory_space<vmem>>, vector<1x128xf32>
    %add3A_16 = vector.broadcast %get3A_15 : vector<1x128xf32> to vector<10000x128xf32>
    %add3A_17 = arith.addf %mul3A_12, %add3A_16 : vector<10000x128xf32>
    %reduce_sum3A = arith.constant dense<0.000000e+00> : vector<128xf32>
    %reduce_sum3A_18 = vector.multi_reduction <add>, %add3A_17, %reduce_sum3A [0] : vector<10000x128xf32> to vector<128xf32>
    %broadcast_in_dim3A = vector.shape_cast %reduce_sum3A_18 : vector<128xf32> to vector<1x128xf32>
    %div3A = arith.constant 1.000000e+04 : f32
    %div3A_19 = vector.broadcast %div3A : f32 to vector<1x128xf32>
    %div3A_20 = arith.divf %broadcast_in_dim3A, %div3A_19 : vector<1x128xf32>
    %sub3A = vector.broadcast %div3A_20 : vector<1x128xf32> to vector<10000x128xf32>
    %sub3A_21 = arith.subf %add3A_17, %sub3A : vector<10000x128xf32>
    %sub3A_22 = vector.broadcast %div3A_20 : vector<1x128xf32> to vector<10000x128xf32>
    %sub3A_23 = arith.subf %add3A_17, %sub3A_22 : vector<10000x128xf32>
    %mul3A_24 = arith.mulf %sub3A_21, %sub3A_23 : vector<10000x128xf32>
    %reduce_sum3A_25 = arith.constant dense<0.000000e+00> : vector<128xf32>
    %reduce_sum3A_26 = vector.multi_reduction <add>, %mul3A_24, %reduce_sum3A_25 [0] : vector<10000x128xf32> to vector<128xf32>
    %broadcast_in_dim3A_27 = vector.shape_cast %reduce_sum3A_26 : vector<128xf32> to vector<1x128xf32>
    %div3A_28 = arith.constant 1.000000e+04 : f32
    %div3A_29 = vector.broadcast %div3A_28 : f32 to vector<1x128xf32>
    %div3A_30 = arith.divf %broadcast_in_dim3A_27, %div3A_29 : vector<1x128xf32>
    %sub3A_31 = vector.broadcast %div3A_20 : vector<1x128xf32> to vector<10000x128xf32>
    %sub3A_32 = arith.subf %add3A_17, %sub3A_31 : vector<10000x128xf32>
    %add3A_33 = arith.constant 9.99999974E-6 : f32
    %add3A_34 = vector.broadcast %add3A_33 : f32 to vector<1x128xf32>
    %add3A_35 = arith.addf %div3A_30, %add3A_34 : vector<1x128xf32>
    %rsqrt3A = math.rsqrt %add3A_35 : vector<1x128xf32>
    %mul3A_36 = vector.broadcast %rsqrt3A : vector<1x128xf32> to vector<10000x128xf32>
    %mul3A_37 = arith.mulf %sub3A_32, %mul3A_36 : vector<10000x128xf32>
    %get3A_38 = arith.constant 0 : index
    %get3A_39 = arith.constant 0 : index
    %get3A_40 = vector.load %arg5[%get3A_38, %get3A_39] : memref<1x128xf32, #tpu.memory_space<vmem>>, vector<1x128xf32>
    %mul3A_41 = vector.broadcast %get3A_40 : vector<1x128xf32> to vector<10000x128xf32>
    %mul3A_42 = arith.mulf %mul3A_37, %mul3A_41 : vector<10000x128xf32>
    %get3A_43 = arith.constant 0 : index
    %get3A_44 = arith.constant 0 : index
    %get3A_45 = vector.load %arg6[%get3A_43, %get3A_44] : memref<1x128xf32, #tpu.memory_space<vmem>>, vector<1x128xf32>
    %add3A_46 = vector.broadcast %get3A_45 : vector<1x128xf32> to vector<10000x128xf32>
    %add3A_47 = arith.addf %mul3A_42, %add3A_46 : vector<10000x128xf32>
    %gt3A = arith.constant 0.000000e+00 : f32
    %gt3A_48 = vector.broadcast %gt3A : f32 to vector<10000x128xf32>
    %gt3A_49 = arith.cmpf ogt, %add3A_47, %gt3A_48 : vector<10000x128xf32>
    %min3A = arith.constant 0.000000e+00 : f32
    %min3A_50 = vector.broadcast %min3A : f32 to vector<10000x128xf32>
    %min3A_51 = arith.minimumf %add3A_47, %min3A_50 : vector<10000x128xf32>
    %exp3A = math.exp %min3A_51 : vector<10000x128xf32>
    %sub3A_52 = arith.constant 1.000000e+00 : f32
    %sub3A_53 = vector.broadcast %sub3A_52 : f32 to vector<10000x128xf32>
    %sub3A_54 = arith.subf %exp3A, %sub3A_53 : vector<10000x128xf32>
    %select_n3A = arith.select %gt3A_49, %add3A_47, %sub3A_54 : vector<10000x128xi1>, vector<10000x128xf32>
    %swap3A = arith.constant 0 : index
    %swap3A_55 = arith.constant 0 : index
    %swap3A_56 = vector.load %arg7[%swap3A, %swap3A_55] : memref<10000x128xf32, #tpu.memory_space<vmem>>, vector<10000x128xf32>
    tpu.vector_store %arg7[%swap3A, %swap3A_55], %select_n3A {strides = array<i32>} : memref<10000x128xf32, #tpu.memory_space<vmem>>, vector<10000x128xf32>,
    return
  }
}

</mosaic_0001>

<sc_bundles>
// kernel: kernel.11.cloned.1.call-start
scs
__scs_entry_jumppad:
0x0: {  	(pc) =	sbr.rel $0x88, $3  }
0x1: {  	(tag) =	ssettag $0x0;
	lr =	simm.s32 $0x1  }
0x2: {  	[smem:$0x3F97] =	sst lr;
	_ =	strace $0xD0000000  }
0x3: {  	_ = 	snop  }
0x4: {  	_ = 	snop  }
0x5: {  	_ = 	snop  }
0x6: {  	_ = 	snop  }
0x7: {  	_ = 	snop  }
__scs_overlays_trampoline_lowered:
0x8: {  	[smem:$0x3FA6] =	sst s0  }
0x9: {  	[smem:$0x3FA7] =	sst s1  }
0xa: {  	[smem:$0x3FA8] =	sst s2  }
0xb: {  	[smem:$0x3FA9] =	sst s3  }
0xc: {  	[smem:$0x3FAA] =	sst s4  }
0xd: {  	[smem:$0x3FAB] =	sst s5  }
0xe: {  	[smem:$0x3FAC] =	sst s6  }
0xf: {  	[smem:$0x3FAD] =	sst s7  }
0x10: {  	[smem:$0x3FAE] =	sst s8  }
0x11: {  	[smem:$0x3FAF] =	sst s9;
	s0 =	simm.s32 @!p0 $0x0  }
0x12: {  	s1 =	sld [smem:$0x3F95];
	s0 =	simm.s32 @p0 $0x1  }
0x13: {  	[smem:$0x3FB0] =	sst s0;
	s0 =	simm.s32 @!p1 $0x0  }
0x14: {  	s2 =	sld [smem:$0x3F94];
	s0 =	simm.s32 @p1 $0x1  }
0x15: {  	[smem:$0x3FB1] =	sst s0;
	s0 =	simm.s32 @!p2 $0x0  }
0x16: {  	s3 =	sld [smem:$0x3FDB];
	s0 =	simm.s32 @p2 $0x1  }
0x17: {  	s4 =	simm.s32 $0x1BF5;
	[smem:$0x3FB3] =	sst s0  }
0x18: {  	s0 =	sld [smem:$0x3F96];
	_ =	swait.ge [sflag:s4], $0x0  }
0x19: {  	s7 =	sld [smem:$0x3F97]  }
0x1a: {  	s8 =	sadd.s32 $0xFFFFE003, lr  }
0x1b: {  	s9 =	sadd.s32 $0xFFFFFEF7, lr;
	s5 =	simm.s32 $0xFFFFFFFF;
	p2 =	slt.u32 s8, $0xFFFFF086  }
0x1c: {  	p1 =	slt.u32 s9, $0xF7A;
	s5 =	simm.s32 @!p2 $0x0  }
0x1d: {  	s5 =	simm.s32 @p1 $0x1;
	p0 =	seq.s32 s7, s2  }
0x1e: {  	s7 =	smul.u32 @!p0 $0xF7A, s2;
	p2 =	seq.s32 @!p0 s5, $0x0  }
0x1f: {  	s9 =	smul.u32 $0xF7A, s1;
	s8 =	simm.s32 @!p0 $0x1BF5;
	p2 =	por !p2, p0  }
0x20: {  	[sflag:s8] =	ssyncset.s32 @!p0 $0xFFFFF086;
	s6 =	sadd.s32 @!p0 s3, s7;
	s7 =	simm.s32 @!p0 $0x108  }
0x21: {  	s3 =	sadd.s32 s3, s9;
	s6 =	sadd.s32 @!p0 $0x88, s6;
	s7 =	simm.s32 @p2 $0x1082  }
0x22: {  	[simem:s7], [sflag:s8] =	dma.local @!p0 [hbm:s6], $0xF7A  }
0x23: {  	s9 =	sor.u32 $0xD0000000, s2;
	s6 =	simm.s32 $0x108;
	_ =	swait.ge @!p0 [sflag:s8], $0x0  }
0x24: {  	s3 =	sadd.s32 $0x88, s3;
	s6 =	simm.s32 @!p1 $0x1082;
	[sflag:s4] =	ssyncset.s32 $0xFFFFF086  }
0x25: {  	[simem:s6], [sflag:s4] =	dma.local [hbm:s3], $0xF7A  }
0x26: {  	[smem:$0x3F97] =	sst s1;
	(tag) =	ssettag s2;
	_ =	strace s9  }
0x27: {  	s1 =	sld [smem:$0x3FA7]  }
0x28: {  	s2 =	sld [smem:$0x3FA8]  }
0x29: {  	s4 =	sld [smem:$0x3FAA]  }
0x2a: {  	p0 =	seq.s32 s5, $0x0;
	s5 =	sld [smem:$0x3FAB]  }
0x2b: {  	s6 =	sld [smem:$0x3FAC]  }
0x2c: {  	s7 =	sld [smem:$0x3FAD]  }
0x2d: {  	s3 =	simm.s32 $0x108;
	s8 =	sld [smem:$0x3FAE]  }
0x2e: {  	s3 =	simm.s32 @!p0 $0x1082;
	s9 =	sld [smem:$0x3FAF]  }
0x2f: {  	lr =	sadd.s32 s0, s3;
	s0 =	sld [smem:$0x3FA6]  }
0x30: {  	s3 =	sld [smem:$0x3FA9]  }
0x31: {  	[smem:$0x3FB2] =	sst s10  }
0x32: {  	s10 =	sld [smem:$0x3FB0];
	_ =	sdelay $0x3  }
0x33: {  	p0 =	seq.s32 s10, $0x1;
	s10 =	sld [smem:$0x3FB2];
	_ =	sdelay $0x3  }
0x34: {  	[smem:$0x3FB2] =	sst s10  }
0x35: {  	s10 =	sld [smem:$0x3FB1];
	_ =	sdelay $0x3  }
0x36: {  	p1 =	seq.s32 s10, $0x1;
	s10 =	sld [smem:$0x3FB2];
	_ =	sdelay $0x3  }
0x37: {  	[smem:$0x3FB2] =	sst s10  }
0x38: {  	s10 =	sld [smem:$0x3FB3]  }
0x39: {  	_ = 	snop;
	(pc) =	sbr.ind lr, $3  }
0x3a: {  	_ = 	snop  }
0x3b: {  	_ = 	snop  }
0x3c: {  	p2 =	seq.s32 s10, $0x1;
	s10 =	sld [smem:$0x3FB2]  }
0x3d: {  	_ =	shalt  }
0x3e: {  	_ =	shalt  }
0x3f: {  	_ =	shalt  }
0x40: {  	_ =	shalt  }
0x41: {  	_ =	shalt  }
0x42: {  	_ =	shalt  }
0x43: {  	_ =	shalt  }
0x44: {  	_ =	shalt  }
0x45: {  	_ =	shalt  }
0x46: {  	_ =	shalt  }
0x47: {  	_ =	shalt  }
0x48: {  	_ =	shalt  }
0x49: {  	_ =	shalt  }
0x4a: {  	_ =	shalt  }
0x4b: {  	_ =	shalt  }
0x4c: {  	_ =	shalt  }
0x4d: {  	_ =	shalt  }
0x4e: {  	_ =	shalt  }
0x4f: {  	_ =	shalt  }
0x50: {  	_ =	shalt  }
0x51: {  	_ =	shalt  }
0x52: {  	_ =	shalt  }
0x53: {  	_ =	shalt  }
0x54: {  	_ =	shalt  }
0x55: {  	_ =	shalt  }
0x56: {  	_ =	shalt  }
0x57: {  	_ =	shalt  }
0x58: {  	_ =	shalt  }
0x59: {  	_ =	shalt  }
0x5a: {  	_ =	shalt  }
0x5b: {  	_ =	shalt  }
0x5c: {  	_ =	shalt  }
0x5d: {  	_ =	shalt  }
0x5e: {  	_ =	shalt  }
0x5f: {  	_ =	shalt  }
0x60: {  	_ =	shalt  }
0x61: {  	_ =	shalt  }
0x62: {  	_ =	shalt  }
0x63: {  	_ =	shalt  }
0x64: {  	_ =	shalt  }
0x65: {  	_ =	shalt  }
0x66: {  	_ =	shalt  }
0x67: {  	_ =	shalt  }
0x68: {  	_ =	shalt  }
0x69: {  	_ =	shalt  }
0x6a: {  	_ =	shalt  }
0x6b: {  	_ =	shalt  }
0x6c: {  	_ =	shalt  }
0x6d: {  	_ =	shalt  }
0x6e: {  	_ =	shalt  }
0x6f: {  	_ =	shalt  }
0x70: {  	_ =	shalt  }
0x71: {  	_ =	shalt  }
0x72: {  	_ =	shalt  }
0x73: {  	_ =	shalt  }
0x74: {  	_ =	shalt  }
0x75: {  	_ =	shalt  }
0x76: {  	_ =	shalt  }
0x77: {  	_ =	shalt  }
0x78: {  	_ =	shalt  }
0x79: {  	_ =	shalt  }
0x7a: {  	_ =	shalt  }
0x7b: {  	_ =	shalt  }
0x7c: {  	_ =	shalt  }
0x7d: {  	_ =	shalt  }
0x7e: {  	_ =	shalt  }
0x7f: {  	_ =	shalt  }
0x80: {  	_ =	shalt  }
0x81: {  	_ =	shalt  }
0x82: {  	_ =	shalt  }
0x83: {  	_ =	shalt  }
0x84: {  	_ =	shalt  }
0x85: {  	_ =	shalt  }
0x86: {  	_ =	shalt  }
0x87: {  	_ =	shalt  }
.Lfunc_end0:
.L_simem_size_0:
called_computation.1_lowered:
.L_overlay_start_0:
0x88: {  	s2 =	sld [smem:$0x3FD9]  }
0x89: {  	s3 =	sld [smem:$0x3FFE];
	_ =	sdelay $0x1  }
0x8a: {  	s1 =	srdreg.scid  }
0x8b: {  	s0 =	sand.u32 $0x1, s1  }
0x8c: {  	s17 =	sshll.u32 s0, $0xA;
	s2 =	sadd.s32 s3, s2  }
0x8d: {  	s2 =	sadd.s32 s2, s17  }
0x8e: {  	[smem:$0x3FBE] =	sst s2  }
0x8f: {  	_ = 	snop  }
0x90: {  	s2 =	sld [smem:$0x3FD0];
	(tm) =	ssettm $0x1  }
0x91: {  	s18 =	sld [smem:$0x3FFB];
	_ =	sdelay $0x3  }
0x92: {  	_ =	strace s18  }
0x93: {  	s3 =	sld [smem:$0x3FFC];
	_ =	sdelay $0x3  }
0x94: {  	_ =	strace s3  }
0x95: {  	s3 =	sld [smem:$0x3FFD];
	_ =	sdelay $0x3  }
0x96: {  	_ =	strace s3  }
0x97: {  	_ =	strace $0x8FFFFFFF  }
0x98: {  	s19 =	sld [smem:$0x3FDB];
	_ =	sdelay $0x1  }
0x99: {  	s4 =	simm.s32 $_scs_section_size  }
0x9a: {  	s5 =	simm.s32 $_size__tile_overlayer_lowered;
	s6 =	simm.s32 $_tile_overlayer_lowered  }
0x9b: {  	s22 =	simm.s32 $0x1BFF;
	s21 =	sshll.u32 s6, $0x1;
	s3 =	sadd.s32 s4, s19  }
0x9c: {  	s7 =	simm.s32 $0x0;
	s20 =	sshll.u32 s5, $0x1;
	s5 =	sadd.s32 s21, s3  }
0x9d: {  	[timem:s7], [sflag:s22] =	dma.local [hbm:s5], s20  }
0x9e: {  	_ =	swait.ge [sflag:s22], s20  }
0x9f: {  	s4 =	ssub.s32 $0x0, s20;
	[sflag:s22] =	ssyncset.done $0x0  }
0xa0: {  	[sflag:s22] =	ssyncadd.s32 s4;
	_ =	sdelay $0x1  }
0xa1: {  	s23 =	simm.s32 $0x1B8B  }
0xa2: {  	_ =	swait.ge [sflag:s23], $0x1  }
0xa3: {  	[sflag:s23] =	ssyncset.done $0x0  }
0xa4: {  	s25 =	simm.s32 $0x1B8E;
	s24 =	sld [smem:$0x3FFE];
	[sflag:s23] =	ssyncadd.s32 $0xFFFFFFFF  }
0xa5: {  	s26 =	simm.s32 $execute0_lowered;
	[smem:$0x3FD2] =	sst s25  }
0xa6: {  	s5 =	sshll.u32 s26, $0x1;
	_ =	strace $0x80000049;
	[dreg:$0x1] =	wrdreg $0xFFFFFFFF  }
0xa7: {  	s28 =	simm.s32 $_size_execute0_lowered;
	s3 =	sadd.s32 s3, s5;
	[dreg:$0x0] =	wrdreg $0x0  }
0xa8: {  	s5 =	sshll.u32 s28, $0x1;
	[dreg:$0x2] =	wrdreg s3  }
0xa9: {  	[dreg:$0x3] =	wrdreg s5  }
0xaa: {  	[dreg:$0x4] =	wrdreg $0xC0  }
0xab: {  	_ =	task [dreg:s7], $0x5FFFF  }
0xac: {  	[dreg:$0x1] =	wrdreg $0xFFFFFFFF  }
0xad: {  	[dreg:$0x0] =	wrdreg $0x60  }
0xae: {  	[dreg:$0x2] =	wrdreg s2  }
0xaf: {  	[dreg:$0x3] =	wrdreg s24  }
0xb0: {  	[dreg:$0x4] =	wrdreg $0xB7800  }
0xb1: {  	[dreg:$0x5] =	wrdreg $0x9  }
0xb2: {  	_ =	task.clear_ibuf [dreg:s7], $0x6FFFF;
	_ =	strace $0x90000049  }
0xb3: {  	s29 =	simm.s32 $0x9;
	_ =	strace $0x8000004B  }
0xb4: {  	_ =	swait.ge [sflag:s29], $0x1  }
0xb5: {  	[sflag:s29] =	ssyncadd.s32 $0xFFFFFFFF  }
0xb6: {  	_ =	strace $0x9000004B  }
0xb7: {  	_ =	sfence  }
0xb8: {  	s30 =	sld [smem:$0x0];
	_ =	sdelay $0x2  }
0xb9: {  	s31 =	sshll.u32 s1, $0xD;
	s1 =	sshrl.u32 s1, $0x2  }
0xba: {  	s3 =	sand.u32 $0x4000, s31;
	s1 =	sadd.s32 s1, s30  }
0xbb: {  	s0 =	sor.u32 s3, s0;
	s1 =	sshll.u32 s1, $0x11  }
0xbc: {  	s0 =	sor.u32 s1, s0  }
0xbd: {  	s0 =	sadd.s32 $0x8F2B, s0  }
0xbe: {  	[sflag:s0] =	ssyncadd.remote.s32 $0x1  }
0xbf: {  	_ =	sfence.sel $0xFFFF  }
0xc0: {  	[dreg:$0x0] =	wrdreg $0xFFFFFFFF;
	(pc) =	sbr.abs _section_cstart, $3  }
0xc1: {  	[dreg:$0x1] =	wrdreg $0xFFFFFFFF  }
0xc2: {  	_ =	task.clear_ibuf [dreg:s7], $0x2FFFF;
	_ =	strace $0x9FFFFFFF  }
0xc3: {  	(tm) =	ssettm $0x7FFFFFFF  }
tec
execute0_lowered:
.L_overlay_start_1:
0x0: {  	(tag) =	ssettag $0x1  }
0x1: {  	s1 =	rddreg [dreg:$0x0]  }
0x2: {  	s0 =	srdreg.scid;
	s7 =	rddreg [dreg:$0x1]  }
0x3: {  	s3 =	rddreg [dreg:$0x2];
	s4 =	simm.s32 $0x0;
	s13 =	simm.s32 $0x80  }
0x4: {  	s14 =	simm.s32 $0x400;
	s15 =	simm.s32 $0x2780;
	s16 =	simm.s32 $0x50  }
0x5: {  	s17 =	simm.s32 $0x6780;
	s18 =	simm.s32 $0x8F80;
	s19 =	simm.s32 $0x1  }
0x6: {  	s20 =	simm.s32 $0x2;
	s21 =	simm.s32 $0x6480;
	s22 =	simm.s32 $0x26C0  }
0x7: {  	s23 =	simm.s32 $0x6500;
	s24 =	simm.s32 $0x6580;
	s25 =	simm.s32 $0x0  }
0x8: {  	s5 =	sand.u32 $0x1, s0;
	s0 =	stileid.u32;
	[smem:$0x7FF] =	sst s4  }
0x9: {  	s2 =	sshll.u32 s5, $0x4;
	s9 =	sshll.u32 s0, $0x7;
	s10 =	ssub.s32 $0x2, s5  }
0xa: {  	s11 =	smul.u32 $0x4E200, s0;
	s5 =	sadd.s32 $0x14600, s7;
	s6 =	sor.u32 s0, s2  }
0xb: {  	s31 =	sshll.u32 s0, $0x6;
	s9 =	sand.u32 $0x380, s9;
	s2 =	sshrl.u32 s6, $0x3  }
0xc: {  	s29 =	sshrl.u32 s10, $0x1;
	s28 =	sshll.u32 s6, $0xB;
	s8 =	smul.u32 $0x13C00, s2  }
0xd: {  	s6 =	smul.u32 $0x2780, s6;
	s10 =	ssub.s32 s10, s29;
	s30 =	sshrl.u32 s11, $0x2  }
0xe: {  	s2 =	rddreg [dreg:$0x3];
	_ =	strace $0x8000004A;
	s8 =	sor.u32 s9, s8  }
0xf: {  	s11 =	sadd.s32 s30, s3;
	s10 =	smax.u32 s10, $0x1;
	s8 =	sshrl.u32 s8, $0x3  }
0x10: {  	s12 =	sadd.s32 s6, s7;
	s6 =	sor.u32 $0x1C03, s31;
	s8 =	sadd.s32 s8, s7  }
0x11: {  	s11 =	sshrl.u32 s11, $0x3;
	s9 =	sadd.s32 s28, s7;
	s7 =	sadd.s32 $0x65E00, s8  }
0x12: {  	s8 =	sadd.s32 $0x4600, s9;
	s9 =	sadd.s32 $0x6FC00, s12;
	s12 =	simm.s32 $0x3  }
.LBB2_1:
0x13: {  	[spmem:s11], [sflag:s6] =	dma.local [hbm:s5], $0x2710  }
0x14: {  	_ =	swait.ge [sflag:s12], $0x2710  }
0x15: {  	[sflag:s12] =	ssyncset.done $0x0  }
0x16: {  	[sflag:s12] =	ssyncadd.s32 $0xFFFFD8F0  }
0x17: {  	[tilespmem:s4], [sflag:$0x3] =	stream.strided.gather [hbm4b:s7+s13], $0x2780, s14, s13, $0x38;
	[tilespmem:$0x1F000] =	vst v63  }
0x18: {  	_ =	swait.ge [sflag:s12], $0x2780  }
0x19: {  	[sflag:s12] =	ssyncset.done $0x0  }
0x1a: {  	[sflag:s12] =	ssyncadd.s32 $0xFFFFD880  }
0x1b: {  	[tilespmem:s15], [sflag:$0x3] =	stream.linear.gather [hbm4b:s8+s4], $0x3E80, $0x38;
	[tilespmem:$0x1F000] =	vst v63  }
0x1c: {  	_ =	swait.ge [sflag:s12], $0x3E80  }
0x1d: {  	[sflag:s12] =	ssyncset.done $0x0  }
0x1e: {  	[sflag:s12] =	ssyncadd.s32 $0xFFFFC180  }
0x1f: {  	[bflag:$0x0] =	sbarrier.arrive $0xFFFF  }
0x20: {  	[tilespmem:s17], [sflag:$0x1] =	stream.indirect.gather [hbm4b:s1+s16], $0x80, s4, s16, $0xb8;
	[tilespmem:$0x1F000] =	vst v63  }
0x21: {  	_ = 	snop  }
0x22: {  	[tilespmem:s18], [sflag:$0x2] =	stream.indirect.gather [hbm4b:s1+s16], $0x80, s16, s16, $0xb8;
	[tilespmem:$0x1F000] =	vst v63  }
0x23: {  	_ =	swait.ge [sflag:s19], $0x2800  }
0x24: {  	[sflag:s19] =	ssyncset.done $0x0  }
0x25: {  	s26 =	simm.s32 $0x2780;
	[sflag:s19] =	ssyncadd.s32 $0xFFFFD800  }
0x26: {  	[spmem:s3] =	stream.indirect.scatter.add.f32 [tilespmem:s17], [sflag:$0x3], $0x80, s26, s16, $0xb8;
	[tilespmem:$0x1F000] =	vst v63  }
0x27: {  	_ =	swait.ge [sflag:s12], $0x2800  }
0x28: {  	[sflag:s12] =	ssyncset.done $0x0  }
0x29: {  	s30 =	simm.s32 $0xA0;
	[sflag:s12] =	ssyncadd.s32 $0xFFFFD800  }
0x2a: {  	[tilespmem:s17], [sflag:$0x1] =	stream.indirect.gather [hbm4b:s1+s16], $0x80, s30, s16, $0xb8;
	[tilespmem:$0x1F000] =	vst v63  }
0x2b: {  	_ =	swait.ge [sflag:s20], $0x2800  }
0x2c: {  	[sflag:s20] =	ssyncset.done $0x0  }
0x2d: {  	s31 =	simm.s32 $0x2800;
	[sflag:s20] =	ssyncadd.s32 $0xFFFFD800  }
0x2e: {  	[spmem:s3] =	stream.indirect.scatter.add.f32 [tilespmem:s18], [sflag:$0x3], $0x80, s31, s16, $0xb8;
	[tilespmem:$0x1F000] =	vst v63  }
0x2f: {  	_ =	swait.ge [sflag:s12], $0x2800  }
0x30: {  	s28 =	simm.s32 $0x400;
	[sflag:s12] =	ssyncset.done $0x0  }
0x31: {  	s29 =	simm.s32 $0x190;
	s26 =	simm.s32 $0xF0;
	[sflag:s12] =	ssyncadd.s32 $0xFFFFD800  }
.LBB2_2:
0x32: {  	[tilespmem:s18], [sflag:$0x2] =	stream.indirect.gather [hbm4b:s1+s16], $0x80, s26, s16, $0xb8;
	[tilespmem:$0x1F000] =	vst v63  }
0x33: {  	s30 =	smov.u32 s28;
	s26 =	smov.u32 s29  }
0x34: {  	p0 =	sne.s32 s28, $0xF000;
	s28 =	sadd.s32 $0x400, s28;
	_ =	swait.ge [sflag:s19], $0x2800  }
0x35: {  	s30 =	sshra.s32 s30, $0x2;
	[sflag:s19] =	ssyncset.done $0x0  }
0x36: {  	s31 =	sadd.s32 $0x2780, s30;
	[sflag:s19] =	ssyncadd.s32 $0xFFFFD800  }
0x37: {  	[spmem:s3] =	stream.indirect.scatter.add.f32 [tilespmem:s17], [sflag:$0x3], $0x80, s31, s16, $0xb8;
	[tilespmem:$0x1F000] =	vst v63  }
0x38: {  	_ =	swait.ge [sflag:s12], $0x2800  }
0x39: {  	[sflag:s12] =	ssyncset.done $0x0  }
0x3a: {  	s31 =	sadd.s32 $0xFFFFFFB0, s29;
	[sflag:s12] =	ssyncadd.s32 $0xFFFFD800  }
0x3b: {  	[tilespmem:s17], [sflag:$0x1] =	stream.indirect.gather [hbm4b:s1+s16], $0x80, s31, s16, $0xb8;
	[tilespmem:$0x1F000] =	vst v63  }
0x3c: {  	_ =	swait.ge [sflag:s20], $0x2800  }
0x3d: {  	[sflag:s20] =	ssyncset.done $0x0  }
.Ltmp0:
0x3e: {  	s30 =	sadd.s32 $0x2800, s30;
	[sflag:s20] =	ssyncadd.s32 $0xFFFFD800;
	(pc) =	sbr.rel @p0 .LBB2_2-.Ltmp0, $4  }
0x3f: {  	[spmem:s3] =	stream.indirect.scatter.add.f32 [tilespmem:s18], [sflag:$0x3], $0x80, s30, s16, $0xb8;
	[tilespmem:$0x1F000] =	vst v63  }
0x40: {  	_ =	swait.ge [sflag:s12], $0x2800  }
0x41: {  	[sflag:s12] =	ssyncset.done $0x0  }
0x42: {  	s29 =	sadd.s32 $0xA0, s29;
	[sflag:s12] =	ssyncadd.s32 $0xFFFFD800  }
0x43: {  	[tilespmem:s18], [sflag:$0x2] =	stream.indirect.gather [hbm4b:s1+s16], $0x80, s26, s16, $0xb8;
	[tilespmem:$0x1F000] =	vst v63  }
0x44: {  	_ =	swait.ge [sflag:s19], $0x2800  }
0x45: {  	[sflag:s19] =	ssyncset.done $0x0  }
0x46: {  	[sflag:s19] =	ssyncadd.s32 $0xFFFFD800  }
0x47: {  	[spmem:s3] =	stream.indirect.scatter.add.f32 [tilespmem:s17], [sflag:$0x3], $0x80, s21, s16, $0xb8;
	[tilespmem:$0x1F000] =	vst v63  }
0x48: {  	_ =	swait.ge [sflag:s12], $0x2800  }
0x49: {  	[sflag:s12] =	ssyncset.done $0x0  }
0x4a: {  	[sflag:s12] =	ssyncadd.s32 $0xFFFFD800  }
0x4b: {  	[tilespmem:s17], [sflag:$0x1] =	stream.indirect.gather [hbm4b:s1+s16], $0x80, s22, s16, $0xb8;
	[tilespmem:$0x1F000] =	vst v63  }
0x4c: {  	_ =	swait.ge [sflag:s20], $0x2800  }
0x4d: {  	[sflag:s20] =	ssyncset.done $0x0  }
0x4e: {  	[sflag:s20] =	ssyncadd.s32 $0xFFFFD800  }
0x4f: {  	[spmem:s3] =	stream.indirect.scatter.add.f32 [tilespmem:s18], [sflag:$0x3], $0x80, s23, s16, $0xb8;
	[tilespmem:$0x1F000] =	vst v63  }
0x50: {  	_ =	swait.ge [sflag:s12], $0x2800  }
0x51: {  	[sflag:s12] =	ssyncset.done $0x0  }
0x52: {  	[sflag:s12] =	ssyncadd.s32 $0xFFFFD800  }
0x53: {  	_ =	swait.ge [sflag:s19], $0x2800  }
0x54: {  	[sflag:s19] =	ssyncset.done $0x0  }
0x55: {  	[sflag:s19] =	ssyncadd.s32 $0xFFFFD800  }
0x56: {  	[spmem:s3] =	stream.indirect.scatter.add.f32 [tilespmem:s17], [sflag:$0x3], $0x80, s24, s16, $0xb8;
	[tilespmem:$0x1F000] =	vst v63  }
0x57: {  	_ =	swait.ge [sflag:s12], $0x2800  }
0x58: {  	s25 =	sadd.s32 $0x1, s25;
	[sflag:s12] =	ssyncset.done $0x0  }
0x59: {  	p0 =	sne.s32 s25, s10;
	[sflag:s12] =	ssyncadd.s32 $0xFFFFD800  }
.Ltmp1:
0x5a: {  	[bflag:$0x0] =	sbarrier.arrive $0xFFFF;
	(pc) =	sbr.rel @p0 .LBB2_1-.Ltmp1, $4  }
0x5b: {  	[hbm:s9], [sflag:s6] =	dma.local [spmem:s11], $0x2710  }
0x5c: {  	_ =	swait.ge [sflag:s12], $0x2710  }
0x5d: {  	[sflag:s12] =	ssyncset.done $0x0  }
0x5e: {  	[sflag:s12] =	ssyncadd.s32 $0xFFFFD8F0  }
0x5f: {  	_ =	sfence.sel $0x180000  }
0x60: {  	[bflag:$0x0] =	sbarrier.arrive $0xFFFF  }
0x61: {  	p0 =	sne.s32 s0, $0x0;
	_ =	strace $0x9000004A  }
0x62: {  	s0 =	sadd.s32 @!p0 $0x100000, s2;
	[bflag:$0x2] =	sbarrier.arrive $0xFFFF  }
0x63: {  	[sflag:s0] =	ssyncadd.tile.s32 @!p0 $0x1;
	_ =	shalt  }
.Lfunc_end2:
_tile_overlayer_lowered:
.L_overlay_start_2:
0x64: {  	(tag) =	ssettag $0x2  }
0x65: {  	s0 =	rddreg [dreg:$0x0];
	s2 =	stileid.u32  }
0x66: {  	s1 =	rddreg [dreg:$0x1];
	p0 =	sne.s32 s2, $0x0  }
0x67: {  	s3 =	rddreg [dreg:$0x2];
	[bflag:$0x3] =	sbarrier.arrive $0xFFFF;
	s2 =	simm.s32 @!p0 $0x1C03  }
0x68: {  	[timem:s3], [sflag:s2] =	dma.local @!p0 [hbm:s0], s1  }
0x69: {  	s0 =	simm.s32 @!p0 $0x3  }
0x6a: {  	_ =	swait.ge @!p0 [sflag:s0], s1  }
0x6b: {  	s1 =	ssub.s32 @!p0 $0x0, s1;
	[sflag:s0] =	ssyncset.done @!p0 $0x0  }
0x6c: {  	[sflag:s0] =	ssyncadd.s32 @!p0 s1  }
0x6d: {  	[bflag:$0x3] =	sbarrier.arrive $0xFFFF  }
0x6e: {  	_ =	shalt  }

// kernel: kernel.14.cloned.1.call-start
scs
__scs_entry_jumppad:
0x0: {  	(pc) =	sbr.rel $0x88, $3  }
0x1: {  	(tag) =	ssettag $0x0;
	lr =	simm.s32 $0x1  }
0x2: {  	[smem:$0x3F97] =	sst lr;
	_ =	strace $0xD0000000  }
0x3: {  	_ = 	snop  }
0x4: {  	_ = 	snop  }
0x5: {  	_ = 	snop  }
0x6: {  	_ = 	snop  }
0x7: {  	_ = 	snop  }
__scs_overlays_trampoline_lowered:
0x8: {  	[smem:$0x3FA6] =	sst s0  }
0x9: {  	[smem:$0x3FA7] =	sst s1  }
0xa: {  	[smem:$0x3FA8] =	sst s2  }
0xb: {  	[smem:$0x3FA9] =	sst s3  }
0xc: {  	[smem:$0x3FAA] =	sst s4  }
0xd: {  	[smem:$0x3FAB] =	sst s5  }
0xe: {  	[smem:$0x3FAC] =	sst s6  }
0xf: {  	[smem:$0x3FAD] =	sst s7  }
0x10: {  	[smem:$0x3FAE] =	sst s8  }
0x11: {  	[smem:$0x3FAF] =	sst s9;
	s0 =	simm.s32 @!p0 $0x0  }
0x12: {  	s1 =	sld [smem:$0x3F95];
	s0 =	simm.s32 @p0 $0x1  }
0x13: {  	[smem:$0x3FB0] =	sst s0;
	s0 =	simm.s32 @!p1 $0x0  }
0x14: {  	s2 =	sld [smem:$0x3F94];
	s0 =	simm.s32 @p1 $0x1  }
0x15: {  	[smem:$0x3FB1] =	sst s0;
	s0 =	simm.s32 @!p2 $0x0  }
0x16: {  	s3 =	sld [smem:$0x3FDB];
	s0 =	simm.s32 @p2 $0x1  }
0x17: {  	s4 =	simm.s32 $0x1BF5;
	[smem:$0x3FB3] =	sst s0  }
0x18: {  	s0 =	sld [smem:$0x3F96];
	_ =	swait.ge [sflag:s4], $0x0  }
0x19: {  	s7 =	sld [smem:$0x3F97]  }
0x1a: {  	s8 =	sadd.s32 $0xFFFFE003, lr  }
0x1b: {  	s9 =	sadd.s32 $0xFFFFFEF7, lr;
	s5 =	simm.s32 $0xFFFFFFFF;
	p2 =	slt.u32 s8, $0xFFFFF086  }
0x1c: {  	p1 =	slt.u32 s9, $0xF7A;
	s5 =	simm.s32 @!p2 $0x0  }
0x1d: {  	s5 =	simm.s32 @p1 $0x1;
	p0 =	seq.s32 s7, s2  }
0x1e: {  	s7 =	smul.u32 @!p0 $0xF7A, s2;
	p2 =	seq.s32 @!p0 s5, $0x0  }
0x1f: {  	s9 =	smul.u32 $0xF7A, s1;
	s8 =	simm.s32 @!p0 $0x1BF5;
	p2 =	por !p2, p0  }
0x20: {  	[sflag:s8] =	ssyncset.s32 @!p0 $0xFFFFF086;
	s6 =	sadd.s32 @!p0 s3, s7;
	s7 =	simm.s32 @!p0 $0x108  }
0x21: {  	s3 =	sadd.s32 s3, s9;
	s6 =	sadd.s32 @!p0 $0x88, s6;
	s7 =	simm.s32 @p2 $0x1082  }
0x22: {  	[simem:s7], [sflag:s8] =	dma.local @!p0 [hbm:s6], $0xF7A  }
0x23: {  	s9 =	sor.u32 $0xD0000000, s2;
	s6 =	simm.s32 $0x108;
	_ =	swait.ge @!p0 [sflag:s8], $0x0  }
0x24: {  	s3 =	sadd.s32 $0x88, s3;
	s6 =	simm.s32 @!p1 $0x1082;
	[sflag:s4] =	ssyncset.s32 $0xFFFFF086  }
0x25: {  	[simem:s6], [sflag:s4] =	dma.local [hbm:s3], $0xF7A  }
0x26: {  	[smem:$0x3F97] =	sst s1;
	(tag) =	ssettag s2;
	_ =	strace s9  }
0x27: {  	s1 =	sld [smem:$0x3FA7]  }
0x28: {  	s2 =	sld [smem:$0x3FA8]  }
0x29: {  	s4 =	sld [smem:$0x3FAA]  }
0x2a: {  	p0 =	seq.s32 s5, $0x0;
	s5 =	sld [smem:$0x3FAB]  }
0x2b: {  	s6 =	sld [smem:$0x3FAC]  }
0x2c: {  	s7 =	sld [smem:$0x3FAD]  }
0x2d: {  	s3 =	simm.s32 $0x108;
	s8 =	sld [smem:$0x3FAE]  }
0x2e: {  	s3 =	simm.s32 @!p0 $0x1082;
	s9 =	sld [smem:$0x3FAF]  }
0x2f: {  	lr =	sadd.s32 s0, s3;
	s0 =	sld [smem:$0x3FA6]  }
0x30: {  	s3 =	sld [smem:$0x3FA9]  }
0x31: {  	[smem:$0x3FB2] =	sst s10  }
0x32: {  	s10 =	sld [smem:$0x3FB0];
	_ =	sdelay $0x3  }
0x33: {  	p0 =	seq.s32 s10, $0x1;
	s10 =	sld [smem:$0x3FB2];
	_ =	sdelay $0x3  }
0x34: {  	[smem:$0x3FB2] =	sst s10  }
0x35: {  	s10 =	sld [smem:$0x3FB1];
	_ =	sdelay $0x3  }
0x36: {  	p1 =	seq.s32 s10, $0x1;
	s10 =	sld [smem:$0x3FB2];
	_ =	sdelay $0x3  }
0x37: {  	[smem:$0x3FB2] =	sst s10  }
0x38: {  	s10 =	sld [smem:$0x3FB3]  }
0x39: {  	_ = 	snop;
	(pc) =	sbr.ind lr, $3  }
0x3a: {  	_ = 	snop  }
0x3b: {  	_ = 	snop  }
0x3c: {  	p2 =	seq.s32 s10, $0x1;
	s10 =	sld [smem:$0x3FB2]  }
0x3d: {  	_ =	shalt  }
0x3e: {  	_ =	shalt  }
0x3f: {  	_ =	shalt  }
0x40: {  	_ =	shalt  }
0x41: {  	_ =	shalt  }
0x42: {  	_ =	shalt  }
0x43: {  	_ =	shalt  }
0x44: {  	_ =	shalt  }
0x45: {  	_ =	shalt  }
0x46: {  	_ =	shalt  }
0x47: {  	_ =	shalt  }
0x48: {  	_ =	shalt  }
0x49: {  	_ =	shalt  }
0x4a: {  	_ =	shalt  }
0x4b: {  	_ =	shalt  }
0x4c: {  	_ =	shalt  }
0x4d: {  	_ =	shalt  }
0x4e: {  	_ =	shalt  }
0x4f: {  	_ =	shalt  }
0x50: {  	_ =	shalt  }
0x51: {  	_ =	shalt  }
0x52: {  	_ =	shalt  }
0x53: {  	_ =	shalt  }
0x54: {  	_ =	shalt  }
0x55: {  	_ =	shalt  }
0x56: {  	_ =	shalt  }
0x57: {  	_ =	shalt  }
0x58: {  	_ =	shalt  }
0x59: {  	_ =	shalt  }
0x5a: {  	_ =	shalt  }
0x5b: {  	_ =	shalt  }
0x5c: {  	_ =	shalt  }
0x5d: {  	_ =	shalt  }
0x5e: {  	_ =	shalt  }
0x5f: {  	_ =	shalt  }
0x60: {  	_ =	shalt  }
0x61: {  	_ =	shalt  }
0x62: {  	_ =	shalt  }
0x63: {  	_ =	shalt  }
0x64: {  	_ =	shalt  }
0x65: {  	_ =	shalt  }
0x66: {  	_ =	shalt  }
0x67: {  	_ =	shalt  }
0x68: {  	_ =	shalt  }
0x69: {  	_ =	shalt  }
0x6a: {  	_ =	shalt  }
0x6b: {  	_ =	shalt  }
0x6c: {  	_ =	shalt  }
0x6d: {  	_ =	shalt  }
0x6e: {  	_ =	shalt  }
0x6f: {  	_ =	shalt  }
0x70: {  	_ =	shalt  }
0x71: {  	_ =	shalt  }
0x72: {  	_ =	shalt  }
0x73: {  	_ =	shalt  }
0x74: {  	_ =	shalt  }
0x75: {  	_ =	shalt  }
0x76: {  	_ =	shalt  }
0x77: {  	_ =	shalt  }
0x78: {  	_ =	shalt  }
0x79: {  	_ =	shalt  }
0x7a: {  	_ =	shalt  }
0x7b: {  	_ =	shalt  }
0x7c: {  	_ =	shalt  }
0x7d: {  	_ =	shalt  }
0x7e: {  	_ =	shalt  }
0x7f: {  	_ =	shalt  }
0x80: {  	_ =	shalt  }
0x81: {  	_ =	shalt  }
0x82: {  	_ =	shalt  }
0x83: {  	_ =	shalt  }
0x84: {  	_ =	shalt  }
0x85: {  	_ =	shalt  }
0x86: {  	_ =	shalt  }
0x87: {  	_ =	shalt  }
.Lfunc_end0:
.L_simem_size_0:
called_computation.2_lowered:
.L_overlay_start_0:
0x88: {  	s2 =	sld [smem:$0x3FD9]  }
0x89: {  	s3 =	sld [smem:$0x3FFE];
	_ =	sdelay $0x1  }
0x8a: {  	s1 =	srdreg.scid  }
0x8b: {  	s0 =	sand.u32 $0x1, s1  }
0x8c: {  	s17 =	sshll.u32 s0, $0xA;
	s2 =	sadd.s32 s3, s2  }
0x8d: {  	s2 =	sadd.s32 s2, s17  }
0x8e: {  	[smem:$0x3FBE] =	sst s2  }
0x8f: {  	_ = 	snop  }
0x90: {  	s2 =	sld [smem:$0x3FD0];
	(tm) =	ssettm $0x1  }
0x91: {  	s18 =	sld [smem:$0x3FFB];
	_ =	sdelay $0x3  }
0x92: {  	_ =	strace s18  }
0x93: {  	s3 =	sld [smem:$0x3FFC];
	_ =	sdelay $0x3  }
0x94: {  	_ =	strace s3  }
0x95: {  	s3 =	sld [smem:$0x3FFD];
	_ =	sdelay $0x3  }
0x96: {  	_ =	strace s3  }
0x97: {  	_ =	strace $0x8FFFFFFF  }
0x98: {  	s19 =	sld [smem:$0x3FDB];
	_ =	sdelay $0x1  }
0x99: {  	s4 =	simm.s32 $_scs_section_size  }
0x9a: {  	s5 =	simm.s32 $_size__tile_overlayer_lowered;
	s6 =	simm.s32 $_tile_overlayer_lowered  }
0x9b: {  	s22 =	simm.s32 $0x1BFF;
	s21 =	sshll.u32 s6, $0x1;
	s3 =	sadd.s32 s4, s19  }
0x9c: {  	s7 =	simm.s32 $0x0;
	s20 =	sshll.u32 s5, $0x1;
	s5 =	sadd.s32 s21, s3  }
0x9d: {  	[timem:s7], [sflag:s22] =	dma.local [hbm:s5], s20  }
0x9e: {  	_ =	swait.ge [sflag:s22], s20  }
0x9f: {  	s4 =	ssub.s32 $0x0, s20;
	[sflag:s22] =	ssyncset.done $0x0  }
0xa0: {  	[sflag:s22] =	ssyncadd.s32 s4;
	_ =	sdelay $0x1  }
0xa1: {  	s23 =	simm.s32 $0x1B8B  }
0xa2: {  	_ =	swait.ge [sflag:s23], $0x1  }
0xa3: {  	[sflag:s23] =	ssyncset.done $0x0  }
0xa4: {  	s25 =	simm.s32 $0x1B8E;
	s24 =	sld [smem:$0x3FFE];
	[sflag:s23] =	ssyncadd.s32 $0xFFFFFFFF  }
0xa5: {  	s26 =	simm.s32 $execute0_lowered;
	[smem:$0x3FD2] =	sst s25  }
0xa6: {  	s5 =	sshll.u32 s26, $0x1;
	_ =	strace $0x8000004C;
	[dreg:$0x1] =	wrdreg $0xFFFFFFFF  }
0xa7: {  	s28 =	simm.s32 $_size_execute0_lowered;
	s3 =	sadd.s32 s3, s5;
	[dreg:$0x0] =	wrdreg $0x0  }
0xa8: {  	s5 =	sshll.u32 s28, $0x1;
	[dreg:$0x2] =	wrdreg s3  }
0xa9: {  	[dreg:$0x3] =	wrdreg s5  }
0xaa: {  	[dreg:$0x4] =	wrdreg $0xC0  }
0xab: {  	_ =	task [dreg:s7], $0x5FFFF  }
0xac: {  	[dreg:$0x1] =	wrdreg $0xFFFFFFFF  }
0xad: {  	[dreg:$0x0] =	wrdreg $0x60  }
0xae: {  	[dreg:$0x2] =	wrdreg s2  }
0xaf: {  	[dreg:$0x3] =	wrdreg s24  }
0xb0: {  	[dreg:$0x4] =	wrdreg $0xB7800  }
0xb1: {  	[dreg:$0x5] =	wrdreg $0x9  }
0xb2: {  	_ =	task.clear_ibuf [dreg:s7], $0x6FFFF;
	_ =	strace $0x9000004C  }
0xb3: {  	s29 =	simm.s32 $0x9;
	_ =	strace $0x8000004E  }
0xb4: {  	_ =	swait.ge [sflag:s29], $0x1  }
0xb5: {  	[sflag:s29] =	ssyncadd.s32 $0xFFFFFFFF  }
0xb6: {  	_ =	strace $0x9000004E  }
0xb7: {  	_ =	sfence  }
0xb8: {  	s30 =	sld [smem:$0x0];
	_ =	sdelay $0x2  }
0xb9: {  	s31 =	sshll.u32 s1, $0xD;
	s1 =	sshrl.u32 s1, $0x2  }
0xba: {  	s3 =	sand.u32 $0x4000, s31;
	s1 =	sadd.s32 s1, s30  }
0xbb: {  	s0 =	sor.u32 s3, s0;
	s1 =	sshll.u32 s1, $0x11  }
0xbc: {  	s0 =	sor.u32 s1, s0  }
0xbd: {  	s0 =	sadd.s32 $0x8F2B, s0  }
0xbe: {  	[sflag:s0] =	ssyncadd.remote.s32 $0x1  }
0xbf: {  	_ =	sfence.sel $0xFFFF  }
0xc0: {  	[dreg:$0x0] =	wrdreg $0xFFFFFFFF;
	(pc) =	sbr.abs _section_cstart, $3  }
0xc1: {  	[dreg:$0x1] =	wrdreg $0xFFFFFFFF  }
0xc2: {  	_ =	task.clear_ibuf [dreg:s7], $0x2FFFF;
	_ =	strace $0x9FFFFFFF  }
0xc3: {  	(tm) =	ssettm $0x7FFFFFFF  }
tec
execute0_lowered:
.L_overlay_start_1:
0x0: {  	(tag) =	ssettag $0x1  }
0x1: {  	s1 =	rddreg [dreg:$0x0]  }
0x2: {  	s0 =	srdreg.scid;
	s7 =	rddreg [dreg:$0x1]  }
0x3: {  	s3 =	rddreg [dreg:$0x2];
	s4 =	simm.s32 $0x0;
	s13 =	simm.s32 $0x80  }
0x4: {  	s14 =	simm.s32 $0x400;
	s15 =	simm.s32 $0x2780;
	s16 =	simm.s32 $0x50  }
0x5: {  	s17 =	simm.s32 $0x6780;
	s18 =	simm.s32 $0x8F80;
	s19 =	simm.s32 $0x1  }
0x6: {  	s20 =	simm.s32 $0x2;
	s21 =	simm.s32 $0x6480;
	s22 =	simm.s32 $0x26C0  }
0x7: {  	s23 =	simm.s32 $0x6500;
	s24 =	simm.s32 $0x6580;
	s25 =	simm.s32 $0x0  }
0x8: {  	s5 =	sand.u32 $0x1, s0;
	s0 =	stileid.u32;
	[smem:$0x7FF] =	sst s4  }
0x9: {  	s2 =	sshll.u32 s5, $0x4;
	s9 =	sshll.u32 s0, $0x7;
	s10 =	ssub.s32 $0x2, s5  }
0xa: {  	s11 =	smul.u32 $0x4E200, s0;
	s5 =	sadd.s32 $0x14600, s7;
	s6 =	sor.u32 s0, s2  }
0xb: {  	s31 =	sshll.u32 s0, $0x6;
	s9 =	sand.u32 $0x380, s9;
	s2 =	sshrl.u32 s6, $0x3  }
0xc: {  	s29 =	sshrl.u32 s10, $0x1;
	s28 =	sshll.u32 s6, $0xB;
	s8 =	smul.u32 $0x13C00, s2  }
0xd: {  	s6 =	smul.u32 $0x2780, s6;
	s10 =	ssub.s32 s10, s29;
	s30 =	sshrl.u32 s11, $0x2  }
0xe: {  	s2 =	rddreg [dreg:$0x3];
	_ =	strace $0x8000004D;
	s8 =	sor.u32 s9, s8  }
0xf: {  	s11 =	sadd.s32 s30, s3;
	s10 =	smax.u32 s10, $0x1;
	s8 =	sshrl.u32 s8, $0x3  }
0x10: {  	s12 =	sadd.s32 s6, s7;
	s6 =	sor.u32 $0x1C03, s31;
	s8 =	sadd.s32 s8, s7  }
0x11: {  	s11 =	sshrl.u32 s11, $0x3;
	s9 =	sadd.s32 s28, s7;
	s7 =	sadd.s32 $0x65E00, s8  }
0x12: {  	s8 =	sadd.s32 $0x4600, s9;
	s9 =	sadd.s32 $0x6FC00, s12;
	s12 =	simm.s32 $0x3  }
.LBB2_1:
0x13: {  	[spmem:s11], [sflag:s6] =	dma.local [hbm:s5], $0x2710  }
0x14: {  	_ =	swait.ge [sflag:s12], $0x2710  }
0x15: {  	[sflag:s12] =	ssyncset.done $0x0  }
0x16: {  	[sflag:s12] =	ssyncadd.s32 $0xFFFFD8F0  }
0x17: {  	[tilespmem:s4], [sflag:$0x3] =	stream.strided.gather [hbm4b:s7+s13], $0x2780, s14, s13, $0x38;
	[tilespmem:$0x1F000] =	vst v63  }
0x18: {  	_ =	swait.ge [sflag:s12], $0x2780  }
0x19: {  	[sflag:s12] =	ssyncset.done $0x0  }
0x1a: {  	[sflag:s12] =	ssyncadd.s32 $0xFFFFD880  }
0x1b: {  	[tilespmem:s15], [sflag:$0x3] =	stream.linear.gather [hbm4b:s8+s4], $0x3E80, $0x38;
	[tilespmem:$0x1F000] =	vst v63  }
0x1c: {  	_ =	swait.ge [sflag:s12], $0x3E80  }
0x1d: {  	[sflag:s12] =	ssyncset.done $0x0  }
0x1e: {  	[sflag:s12] =	ssyncadd.s32 $0xFFFFC180  }
0x1f: {  	[bflag:$0x0] =	sbarrier.arrive $0xFFFF  }
0x20: {  	[tilespmem:s17], [sflag:$0x1] =	stream.indirect.gather [hbm4b:s1+s16], $0x80, s4, s16, $0xb8;
	[tilespmem:$0x1F000] =	vst v63  }
0x21: {  	_ = 	snop  }
0x22: {  	[tilespmem:s18], [sflag:$0x2] =	stream.indirect.gather [hbm4b:s1+s16], $0x80, s16, s16, $0xb8;
	[tilespmem:$0x1F000] =	vst v63  }
0x23: {  	_ =	swait.ge [sflag:s19], $0x2800  }
0x24: {  	[sflag:s19] =	ssyncset.done $0x0  }
0x25: {  	s26 =	simm.s32 $0x2780;
	[sflag:s19] =	ssyncadd.s32 $0xFFFFD800  }
0x26: {  	[spmem:s3] =	stream.indirect.scatter.add.f32 [tilespmem:s17], [sflag:$0x3], $0x80, s26, s16, $0xb8;
	[tilespmem:$0x1F000] =	vst v63  }
0x27: {  	_ =	swait.ge [sflag:s12], $0x2800  }
0x28: {  	[sflag:s12] =	ssyncset.done $0x0  }
0x29: {  	s30 =	simm.s32 $0xA0;
	[sflag:s12] =	ssyncadd.s32 $0xFFFFD800  }
0x2a: {  	[tilespmem:s17], [sflag:$0x1] =	stream.indirect.gather [hbm4b:s1+s16], $0x80, s30, s16, $0xb8;
	[tilespmem:$0x1F000] =	vst v63  }
0x2b: {  	_ =	swait.ge [sflag:s20], $0x2800  }
0x2c: {  	[sflag:s20] =	ssyncset.done $0x0  }
0x2d: {  	s31 =	simm.s32 $0x2800;
	[sflag:s20] =	ssyncadd.s32 $0xFFFFD800  }
0x2e: {  	[spmem:s3] =	stream.indirect.scatter.add.f32 [tilespmem:s18], [sflag:$0x3], $0x80, s31, s16, $0xb8;
	[tilespmem:$0x1F000] =	vst v63  }
0x2f: {  	_ =	swait.ge [sflag:s12], $0x2800  }
0x30: {  	s28 =	simm.s32 $0x400;
	[sflag:s12] =	ssyncset.done $0x0  }
0x31: {  	s29 =	simm.s32 $0x190;
	s26 =	simm.s32 $0xF0;
	[sflag:s12] =	ssyncadd.s32 $0xFFFFD800  }
.LBB2_2:
0x32: {  	[tilespmem:s18], [sflag:$0x2] =	stream.indirect.gather [hbm4b:s1+s16], $0x80, s26, s16, $0xb8;
	[tilespmem:$0x1F000] =	vst v63  }
0x33: {  	s30 =	smov.u32 s28;
	s26 =	smov.u32 s29  }
0x34: {  	p0 =	sne.s32 s28, $0xF000;
	s28 =	sadd.s32 $0x400, s28;
	_ =	swait.ge [sflag:s19], $0x2800  }
0x35: {  	s30 =	sshra.s32 s30, $0x2;
	[sflag:s19] =	ssyncset.done $0x0  }
0x36: {  	s31 =	sadd.s32 $0x2780, s30;
	[sflag:s19] =	ssyncadd.s32 $0xFFFFD800  }
0x37: {  	[spmem:s3] =	stream.indirect.scatter.add.f32 [tilespmem:s17], [sflag:$0x3], $0x80, s31, s16, $0xb8;
	[tilespmem:$0x1F000] =	vst v63  }
0x38: {  	_ =	swait.ge [sflag:s12], $0x2800  }
0x39: {  	[sflag:s12] =	ssyncset.done $0x0  }
0x3a: {  	s31 =	sadd.s32 $0xFFFFFFB0, s29;
	[sflag:s12] =	ssyncadd.s32 $0xFFFFD800  }
0x3b: {  	[tilespmem:s17], [sflag:$0x1] =	stream.indirect.gather [hbm4b:s1+s16], $0x80, s31, s16, $0xb8;
	[tilespmem:$0x1F000] =	vst v63  }
0x3c: {  	_ =	swait.ge [sflag:s20], $0x2800  }
0x3d: {  	[sflag:s20] =	ssyncset.done $0x0  }
.Ltmp0:
0x3e: {  	s30 =	sadd.s32 $0x2800, s30;
	[sflag:s20] =	ssyncadd.s32 $0xFFFFD800;
	(pc) =	sbr.rel @p0 .LBB2_2-.Ltmp0, $4  }
0x3f: {  	[spmem:s3] =	stream.indirect.scatter.add.f32 [tilespmem:s18], [sflag:$0x3], $0x80, s30, s16, $0xb8;
	[tilespmem:$0x1F000] =	vst v63  }
0x40: {  	_ =	swait.ge [sflag:s12], $0x2800  }
0x41: {  	[sflag:s12] =	ssyncset.done $0x0  }
0x42: {  	s29 =	sadd.s32 $0xA0, s29;
	[sflag:s12] =	ssyncadd.s32 $0xFFFFD800  }
0x43: {  	[tilespmem:s18], [sflag:$0x2] =	stream.indirect.gather [hbm4b:s1+s16], $0x80, s26, s16, $0xb8;
	[tilespmem:$0x1F000] =	vst v63  }
0x44: {  	_ =	swait.ge [sflag:s19], $0x2800  }
0x45: {  	[sflag:s19] =	ssyncset.done $0x0  }
0x46: {  	[sflag:s19] =	ssyncadd.s32 $0xFFFFD800  }
0x47: {  	[spmem:s3] =	stream.indirect.scatter.add.f32 [tilespmem:s17], [sflag:$0x3], $0x80, s21, s16, $0xb8;
	[tilespmem:$0x1F000] =	vst v63  }
0x48: {  	_ =	swait.ge [sflag:s12], $0x2800  }
0x49: {  	[sflag:s12] =	ssyncset.done $0x0  }
0x4a: {  	[sflag:s12] =	ssyncadd.s32 $0xFFFFD800  }
0x4b: {  	[tilespmem:s17], [sflag:$0x1] =	stream.indirect.gather [hbm4b:s1+s16], $0x80, s22, s16, $0xb8;
	[tilespmem:$0x1F000] =	vst v63  }
0x4c: {  	_ =	swait.ge [sflag:s20], $0x2800  }
0x4d: {  	[sflag:s20] =	ssyncset.done $0x0  }
0x4e: {  	[sflag:s20] =	ssyncadd.s32 $0xFFFFD800  }
0x4f: {  	[spmem:s3] =	stream.indirect.scatter.add.f32 [tilespmem:s18], [sflag:$0x3], $0x80, s23, s16, $0xb8;
	[tilespmem:$0x1F000] =	vst v63  }
0x50: {  	_ =	swait.ge [sflag:s12], $0x2800  }
0x51: {  	[sflag:s12] =	ssyncset.done $0x0  }
0x52: {  	[sflag:s12] =	ssyncadd.s32 $0xFFFFD800  }
0x53: {  	_ =	swait.ge [sflag:s19], $0x2800  }
0x54: {  	[sflag:s19] =	ssyncset.done $0x0  }
0x55: {  	[sflag:s19] =	ssyncadd.s32 $0xFFFFD800  }
0x56: {  	[spmem:s3] =	stream.indirect.scatter.add.f32 [tilespmem:s17], [sflag:$0x3], $0x80, s24, s16, $0xb8;
	[tilespmem:$0x1F000] =	vst v63  }
0x57: {  	_ =	swait.ge [sflag:s12], $0x2800  }
0x58: {  	s25 =	sadd.s32 $0x1, s25;
	[sflag:s12] =	ssyncset.done $0x0  }
0x59: {  	p0 =	sne.s32 s25, s10;
	[sflag:s12] =	ssyncadd.s32 $0xFFFFD800  }
.Ltmp1:
0x5a: {  	[bflag:$0x0] =	sbarrier.arrive $0xFFFF;
	(pc) =	sbr.rel @p0 .LBB2_1-.Ltmp1, $4  }
0x5b: {  	[hbm:s9], [sflag:s6] =	dma.local [spmem:s11], $0x2710  }
0x5c: {  	_ =	swait.ge [sflag:s12], $0x2710  }
0x5d: {  	[sflag:s12] =	ssyncset.done $0x0  }
0x5e: {  	[sflag:s12] =	ssyncadd.s32 $0xFFFFD8F0  }
0x5f: {  	_ =	sfence.sel $0x180000  }
0x60: {  	[bflag:$0x0] =	sbarrier.arrive $0xFFFF  }
0x61: {  	p0 =	sne.s32 s0, $0x0;
	_ =	strace $0x9000004D  }
0x62: {  	s0 =	sadd.s32 @!p0 $0x100000, s2;
	[bflag:$0x2] =	sbarrier.arrive $0xFFFF  }
0x63: {  	[sflag:s0] =	ssyncadd.tile.s32 @!p0 $0x1;
	_ =	shalt  }
.Lfunc_end2:
_tile_overlayer_lowered:
.L_overlay_start_2:
0x64: {  	(tag) =	ssettag $0x2  }
0x65: {  	s0 =	rddreg [dreg:$0x0];
	s2 =	stileid.u32  }
0x66: {  	s1 =	rddreg [dreg:$0x1];
	p0 =	sne.s32 s2, $0x0  }
0x67: {  	s3 =	rddreg [dreg:$0x2];
	[bflag:$0x3] =	sbarrier.arrive $0xFFFF;
	s2 =	simm.s32 @!p0 $0x1C03  }
0x68: {  	[timem:s3], [sflag:s2] =	dma.local @!p0 [hbm:s0], s1  }
0x69: {  	s0 =	simm.s32 @!p0 $0x3  }
0x6a: {  	_ =	swait.ge @!p0 [sflag:s0], s1  }
0x6b: {  	s1 =	ssub.s32 @!p0 $0x0, s1;
	[sflag:s0] =	ssyncset.done @!p0 $0x0  }
0x6c: {  	[sflag:s0] =	ssyncadd.s32 @!p0 s1  }
0x6d: {  	[bflag:$0x3] =	sbarrier.arrive $0xFFFF  }
0x6e: {  	_ =	shalt  }

// kernel: kernel.8.cloned.1.call-start
scs
__scs_entry_jumppad:
0x0: {  	(pc) =	sbr.rel $0x88, $3  }
0x1: {  	(tag) =	ssettag $0x0;
	lr =	simm.s32 $0x1  }
0x2: {  	[smem:$0x3F97] =	sst lr;
	_ =	strace $0xD0000000  }
0x3: {  	_ = 	snop  }
0x4: {  	_ = 	snop  }
0x5: {  	_ = 	snop  }
0x6: {  	_ = 	snop  }
0x7: {  	_ = 	snop  }
__scs_overlays_trampoline_lowered:
0x8: {  	[smem:$0x3FA6] =	sst s0  }
0x9: {  	[smem:$0x3FA7] =	sst s1  }
0xa: {  	[smem:$0x3FA8] =	sst s2  }
0xb: {  	[smem:$0x3FA9] =	sst s3  }
0xc: {  	[smem:$0x3FAA] =	sst s4  }
0xd: {  	[smem:$0x3FAB] =	sst s5  }
0xe: {  	[smem:$0x3FAC] =	sst s6  }
0xf: {  	[smem:$0x3FAD] =	sst s7  }
0x10: {  	[smem:$0x3FAE] =	sst s8  }
0x11: {  	[smem:$0x3FAF] =	sst s9;
	s0 =	simm.s32 @!p0 $0x0  }
0x12: {  	s1 =	sld [smem:$0x3F95];
	s0 =	simm.s32 @p0 $0x1  }
0x13: {  	[smem:$0x3FB0] =	sst s0;
	s0 =	simm.s32 @!p1 $0x0  }
0x14: {  	s2 =	sld [smem:$0x3F94];
	s0 =	simm.s32 @p1 $0x1  }
0x15: {  	[smem:$0x3FB1] =	sst s0;
	s0 =	simm.s32 @!p2 $0x0  }
0x16: {  	s3 =	sld [smem:$0x3FDB];
	s0 =	simm.s32 @p2 $0x1  }
0x17: {  	s4 =	simm.s32 $0x1BF5;
	[smem:$0x3FB3] =	sst s0  }
0x18: {  	s0 =	sld [smem:$0x3F96];
	_ =	swait.ge [sflag:s4], $0x0  }
0x19: {  	s7 =	sld [smem:$0x3F97]  }
0x1a: {  	s8 =	sadd.s32 $0xFFFFE003, lr  }
0x1b: {  	s9 =	sadd.s32 $0xFFFFFEF7, lr;
	s5 =	simm.s32 $0xFFFFFFFF;
	p2 =	slt.u32 s8, $0xFFFFF086  }
0x1c: {  	p1 =	slt.u32 s9, $0xF7A;
	s5 =	simm.s32 @!p2 $0x0  }
0x1d: {  	s5 =	simm.s32 @p1 $0x1;
	p0 =	seq.s32 s7, s2  }
0x1e: {  	s7 =	smul.u32 @!p0 $0xF7A, s2;
	p2 =	seq.s32 @!p0 s5, $0x0  }
0x1f: {  	s9 =	smul.u32 $0xF7A, s1;
	s8 =	simm.s32 @!p0 $0x1BF5;
	p2 =	por !p2, p0  }
0x20: {  	[sflag:s8] =	ssyncset.s32 @!p0 $0xFFFFF086;
	s6 =	sadd.s32 @!p0 s3, s7;
	s7 =	simm.s32 @!p0 $0x108  }
0x21: {  	s3 =	sadd.s32 s3, s9;
	s6 =	sadd.s32 @!p0 $0x88, s6;
	s7 =	simm.s32 @p2 $0x1082  }
0x22: {  	[simem:s7], [sflag:s8] =	dma.local @!p0 [hbm:s6], $0xF7A  }
0x23: {  	s9 =	sor.u32 $0xD0000000, s2;
	s6 =	simm.s32 $0x108;
	_ =	swait.ge @!p0 [sflag:s8], $0x0  }
0x24: {  	s3 =	sadd.s32 $0x88, s3;
	s6 =	simm.s32 @!p1 $0x1082;
	[sflag:s4] =	ssyncset.s32 $0xFFFFF086  }
0x25: {  	[simem:s6], [sflag:s4] =	dma.local [hbm:s3], $0xF7A  }
0x26: {  	[smem:$0x3F97] =	sst s1;
	(tag) =	ssettag s2;
	_ =	strace s9  }
0x27: {  	s1 =	sld [smem:$0x3FA7]  }
0x28: {  	s2 =	sld [smem:$0x3FA8]  }
0x29: {  	s4 =	sld [smem:$0x3FAA]  }
0x2a: {  	p0 =	seq.s32 s5, $0x0;
	s5 =	sld [smem:$0x3FAB]  }
0x2b: {  	s6 =	sld [smem:$0x3FAC]  }
0x2c: {  	s7 =	sld [smem:$0x3FAD]  }
0x2d: {  	s3 =	simm.s32 $0x108;
	s8 =	sld [smem:$0x3FAE]  }
0x2e: {  	s3 =	simm.s32 @!p0 $0x1082;
	s9 =	sld [smem:$0x3FAF]  }
0x2f: {  	lr =	sadd.s32 s0, s3;
	s0 =	sld [smem:$0x3FA6]  }
0x30: {  	s3 =	sld [smem:$0x3FA9]  }
0x31: {  	[smem:$0x3FB2] =	sst s10  }
0x32: {  	s10 =	sld [smem:$0x3FB0];
	_ =	sdelay $0x3  }
0x33: {  	p0 =	seq.s32 s10, $0x1;
	s10 =	sld [smem:$0x3FB2];
	_ =	sdelay $0x3  }
0x34: {  	[smem:$0x3FB2] =	sst s10  }
0x35: {  	s10 =	sld [smem:$0x3FB1];
	_ =	sdelay $0x3  }
0x36: {  	p1 =	seq.s32 s10, $0x1;
	s10 =	sld [smem:$0x3FB2];
	_ =	sdelay $0x3  }
0x37: {  	[smem:$0x3FB2] =	sst s10  }
0x38: {  	s10 =	sld [smem:$0x3FB3]  }
0x39: {  	_ = 	snop;
	(pc) =	sbr.ind lr, $3  }
0x3a: {  	_ = 	snop  }
0x3b: {  	_ = 	snop  }
0x3c: {  	p2 =	seq.s32 s10, $0x1;
	s10 =	sld [smem:$0x3FB2]  }
0x3d: {  	_ =	shalt  }
0x3e: {  	_ =	shalt  }
0x3f: {  	_ =	shalt  }
0x40: {  	_ =	shalt  }
0x41: {  	_ =	shalt  }
0x42: {  	_ =	shalt  }
0x43: {  	_ =	shalt  }
0x44: {  	_ =	shalt  }
0x45: {  	_ =	shalt  }
0x46: {  	_ =	shalt  }
0x47: {  	_ =	shalt  }
0x48: {  	_ =	shalt  }
0x49: {  	_ =	shalt  }
0x4a: {  	_ =	shalt  }
0x4b: {  	_ =	shalt  }
0x4c: {  	_ =	shalt  }
0x4d: {  	_ =	shalt  }
0x4e: {  	_ =	shalt  }
0x4f: {  	_ =	shalt  }
0x50: {  	_ =	shalt  }
0x51: {  	_ =	shalt  }
0x52: {  	_ =	shalt  }
0x53: {  	_ =	shalt  }
0x54: {  	_ =	shalt  }
0x55: {  	_ =	shalt  }
0x56: {  	_ =	shalt  }
0x57: {  	_ =	shalt  }
0x58: {  	_ =	shalt  }
0x59: {  	_ =	shalt  }
0x5a: {  	_ =	shalt  }
0x5b: {  	_ =	shalt  }
0x5c: {  	_ =	shalt  }
0x5d: {  	_ =	shalt  }
0x5e: {  	_ =	shalt  }
0x5f: {  	_ =	shalt  }
0x60: {  	_ =	shalt  }
0x61: {  	_ =	shalt  }
0x62: {  	_ =	shalt  }
0x63: {  	_ =	shalt  }
0x64: {  	_ =	shalt  }
0x65: {  	_ =	shalt  }
0x66: {  	_ =	shalt  }
0x67: {  	_ =	shalt  }
0x68: {  	_ =	shalt  }
0x69: {  	_ =	shalt  }
0x6a: {  	_ =	shalt  }
0x6b: {  	_ =	shalt  }
0x6c: {  	_ =	shalt  }
0x6d: {  	_ =	shalt  }
0x6e: {  	_ =	shalt  }
0x6f: {  	_ =	shalt  }
0x70: {  	_ =	shalt  }
0x71: {  	_ =	shalt  }
0x72: {  	_ =	shalt  }
0x73: {  	_ =	shalt  }
0x74: {  	_ =	shalt  }
0x75: {  	_ =	shalt  }
0x76: {  	_ =	shalt  }
0x77: {  	_ =	shalt  }
0x78: {  	_ =	shalt  }
0x79: {  	_ =	shalt  }
0x7a: {  	_ =	shalt  }
0x7b: {  	_ =	shalt  }
0x7c: {  	_ =	shalt  }
0x7d: {  	_ =	shalt  }
0x7e: {  	_ =	shalt  }
0x7f: {  	_ =	shalt  }
0x80: {  	_ =	shalt  }
0x81: {  	_ =	shalt  }
0x82: {  	_ =	shalt  }
0x83: {  	_ =	shalt  }
0x84: {  	_ =	shalt  }
0x85: {  	_ =	shalt  }
0x86: {  	_ =	shalt  }
0x87: {  	_ =	shalt  }
.Lfunc_end0:
.L_simem_size_0:
called_computation_lowered:
.L_overlay_start_0:
0x88: {  	s2 =	sld [smem:$0x3FD9]  }
0x89: {  	s3 =	sld [smem:$0x3FFE];
	_ =	sdelay $0x1  }
0x8a: {  	s1 =	srdreg.scid  }
0x8b: {  	s0 =	sand.u32 $0x1, s1  }
0x8c: {  	s17 =	sshll.u32 s0, $0xA;
	s2 =	sadd.s32 s3, s2  }
0x8d: {  	s2 =	sadd.s32 s2, s17  }
0x8e: {  	[smem:$0x3FBE] =	sst s2  }
0x8f: {  	_ = 	snop  }
0x90: {  	s2 =	sld [smem:$0x3FD0];
	(tm) =	ssettm $0x1  }
0x91: {  	s18 =	sld [smem:$0x3FFB];
	_ =	sdelay $0x3  }
0x92: {  	_ =	strace s18  }
0x93: {  	s3 =	sld [smem:$0x3FFC];
	_ =	sdelay $0x3  }
0x94: {  	_ =	strace s3  }
0x95: {  	s3 =	sld [smem:$0x3FFD];
	_ =	sdelay $0x3  }
0x96: {  	_ =	strace s3  }
0x97: {  	_ =	strace $0x8FFFFFFF  }
0x98: {  	s19 =	sld [smem:$0x3FDB];
	_ =	sdelay $0x1  }
0x99: {  	s4 =	simm.s32 $_scs_section_size  }
0x9a: {  	s5 =	simm.s32 $_size__tile_overlayer_lowered;
	s6 =	simm.s32 $_tile_overlayer_lowered  }
0x9b: {  	s22 =	simm.s32 $0x1BFF;
	s21 =	sshll.u32 s6, $0x1;
	s3 =	sadd.s32 s4, s19  }
0x9c: {  	s7 =	simm.s32 $0x0;
	s20 =	sshll.u32 s5, $0x1;
	s5 =	sadd.s32 s21, s3  }
0x9d: {  	[timem:s7], [sflag:s22] =	dma.local [hbm:s5], s20  }
0x9e: {  	_ =	swait.ge [sflag:s22], s20  }
0x9f: {  	s4 =	ssub.s32 $0x0, s20;
	[sflag:s22] =	ssyncset.done $0x0  }
0xa0: {  	[sflag:s22] =	ssyncadd.s32 s4;
	_ =	sdelay $0x1  }
0xa1: {  	s23 =	simm.s32 $0x1B8B  }
0xa2: {  	_ =	swait.ge [sflag:s23], $0x1  }
0xa3: {  	[sflag:s23] =	ssyncset.done $0x0  }
0xa4: {  	s25 =	simm.s32 $0x1B8E;
	s24 =	sld [smem:$0x3FFE];
	[sflag:s23] =	ssyncadd.s32 $0xFFFFFFFF  }
0xa5: {  	s26 =	simm.s32 $execute0_lowered;
	[smem:$0x3FD2] =	sst s25  }
0xa6: {  	s5 =	sshll.u32 s26, $0x1;
	_ =	strace $0x80000046;
	[dreg:$0x1] =	wrdreg $0xFFFFFFFF  }
0xa7: {  	s28 =	simm.s32 $_size_execute0_lowered;
	s3 =	sadd.s32 s3, s5;
	[dreg:$0x0] =	wrdreg $0x0  }
0xa8: {  	s5 =	sshll.u32 s28, $0x1;
	[dreg:$0x2] =	wrdreg s3  }
0xa9: {  	[dreg:$0x3] =	wrdreg s5  }
0xaa: {  	[dreg:$0x4] =	wrdreg $0xC0  }
0xab: {  	_ =	task [dreg:s7], $0x5FFFF  }
0xac: {  	[dreg:$0x1] =	wrdreg $0xFFFFFFFF  }
0xad: {  	[dreg:$0x0] =	wrdreg $0x60  }
0xae: {  	[dreg:$0x2] =	wrdreg s24  }
0xaf: {  	[dreg:$0x3] =	wrdreg s2  }
0xb0: {  	[dreg:$0x4] =	wrdreg $0x68000  }
0xb1: {  	[dreg:$0x5] =	wrdreg $0x9  }
0xb2: {  	_ =	task.clear_ibuf [dreg:s7], $0x6FFFF;
	_ =	strace $0x90000046  }
0xb3: {  	s29 =	simm.s32 $0x9;
	_ =	strace $0x80000048  }
0xb4: {  	_ =	swait.ge [sflag:s29], $0x1  }
0xb5: {  	[sflag:s29] =	ssyncadd.s32 $0xFFFFFFFF  }
0xb6: {  	_ =	strace $0x90000048  }
0xb7: {  	_ =	sfence  }
0xb8: {  	s30 =	sld [smem:$0x0];
	_ =	sdelay $0x2  }
0xb9: {  	s31 =	sshll.u32 s1, $0xD;
	s1 =	sshrl.u32 s1, $0x2  }
0xba: {  	s3 =	sand.u32 $0x4000, s31;
	s1 =	sadd.s32 s1, s30  }
0xbb: {  	s0 =	sor.u32 s3, s0;
	s1 =	sshll.u32 s1, $0x11  }
0xbc: {  	s0 =	sor.u32 s1, s0  }
0xbd: {  	s0 =	sadd.s32 $0x8F2B, s0  }
0xbe: {  	[sflag:s0] =	ssyncadd.remote.s32 $0x1  }
0xbf: {  	_ =	sfence.sel $0xFFFF  }
0xc0: {  	[dreg:$0x0] =	wrdreg $0xFFFFFFFF;
	(pc) =	sbr.abs _section_cstart, $3  }
0xc1: {  	[dreg:$0x1] =	wrdreg $0xFFFFFFFF  }
0xc2: {  	_ =	task.clear_ibuf [dreg:s7], $0x2FFFF;
	_ =	strace $0x9FFFFFFF  }
0xc3: {  	(tm) =	ssettm $0x7FFFFFFF  }
tec
execute0_lowered:
.L_overlay_start_1:
0x0: {  	(tag) =	ssettag $0x1  }
0x1: {  	s6 =	rddreg [dreg:$0x0]  }
0x2: {  	s0 =	srdreg.scid;
	s2 =	rddreg [dreg:$0x1]  }
0x3: {  	s3 =	rddreg [dreg:$0x2];
	s1 =	stileid.u32;
	s4 =	simm.s32 $0x0  }
0x4: {  	s13 =	simm.s32 $0x50;
	s7 =	sand.u32 $0x1, s0;
	s0 =	rddreg [dreg:$0x3]  }
0x5: {  	s14 =	simm.s32 $0x0;
	[smem:$0x7FF] =	sst s4;
	s9 =	smul.u32 $0x4E200, s1  }
0x6: {  	s31 =	sshll.u32 s1, $0x6;
	s5 =	sshll.u32 s7, $0x4;
	s7 =	ssub.s32 $0x2, s7  }
0x7: {  	_ =	strace $0x80000047;
	s5 =	sor.u32 s1, s5;
	s30 =	sshrl.u32 s7, $0x1  }
0x8: {  	s9 =	sshrl.u32 s9, $0x2;
	s8 =	smul.u32 $0x2780, s5;
	s5 =	sshll.u32 s5, $0xB  }
0x9: {  	s11 =	ssub.s32 s7, s30;
	s12 =	sadd.s32 s9, s3;
	s10 =	sadd.s32 s5, s6  }
0xa: {  	s5 =	sadd.s32 $0x14600, s6;
	s9 =	smax.u32 s11, $0x1;
	s11 =	simm.s32 $0x1  }
0xb: {  	s8 =	sadd.s32 s8, s6;
	s6 =	sor.u32 $0x1C01, s31;
	s7 =	sadd.s32 $0x4600, s10  }
0xc: {  	s10 =	sshrl.u32 s12, $0x3;
	s12 =	simm.s32 $0x4000;
	s8 =	sadd.s32 $0x16E00, s8  }
.LBB2_1:
0xd: {  	[spmem:s10], [sflag:s6] =	dma.local [hbm:s5], $0x2710  }
0xe: {  	_ =	swait.ge [sflag:s11], $0x2710  }
0xf: {  	[sflag:s11] =	ssyncset.done $0x0  }
0x10: {  	[sflag:s11] =	ssyncadd.s32 $0xFFFFD8F0  }
0x11: {  	[tilespmem:s4], [sflag:$0x1] =	stream.linear.gather [hbm4b:s7+s4], $0x3E80, $0x38;
	[tilespmem:$0x1A080] =	vst v63  }
0x12: {  	_ =	swait.ge [sflag:s11], $0x3E80  }
0x13: {  	[sflag:s11] =	ssyncset.done $0x0  }
0x14: {  	[sflag:s11] =	ssyncadd.s32 $0xFFFFC180  }
0x15: {  	[tilespmem:s12], [sflag:$0x1] =	stream.linear.gather [hbm4b:s2+s4], $0x2800, $0x38;
	[tilespmem:$0x1A080] =	vst v63  }
0x16: {  	_ =	swait.ge [sflag:s11], $0x2800  }
0x17: {  	[sflag:s11] =	ssyncset.done $0x0  }
0x18: {  	[sflag:s11] =	ssyncadd.s32 $0xFFFFD800  }
0x19: {  	s15 =	simm.s32 $0x0;
	[bflag:$0x0] =	sbarrier.arrive $0xFFFF  }
0x1a: {  	[spmem:s3] =	stream.indirect.scatter.add.f32 [tilespmem:s12], [sflag:$0x1], $0x80, s15, s13, $0xb8;
	[tilespmem:$0x1A080] =	vst v63  }
0x1b: {  	_ =	swait.ge [sflag:s11], $0x2800  }
0x1c: {  	s15 =	simm.s32 $0x200;
	[sflag:s11] =	ssyncset.done $0x0  }
.LBB2_2:
0x1d: {  	s16 =	sshra.s32 s15, $0x2;
	[sflag:s11] =	ssyncadd.s32 $0xFFFFD800;
	p0 =	sne.s32 s15, $0xF800  }
0x1e: {  	[spmem:s3] =	stream.indirect.scatter.add.f32 [tilespmem:s12], [sflag:$0x1], $0x80, s16, s13, $0xb8;
	[tilespmem:$0x1A080] =	vst v63  }
.Ltmp0:
0x1f: {  	_ = 	snop;
	(pc) =	sbr.rel @p0 .LBB2_2-.Ltmp0, $4  }
0x20: {  	_ = 	snop  }
0x21: {  	s15 =	sadd.s32 $0x200, s15  }
0x22: {  	_ =	swait.ge [sflag:s11], $0x2800  }
0x23: {  	[sflag:s11] =	ssyncset.done $0x0  }
0x24: {  	s14 =	sadd.s32 $0x1, s14  }
0x25: {  	[sflag:s11] =	ssyncadd.s32 $0xFFFFD800;
	p0 =	sne.s32 s14, s9  }
.Ltmp1:
0x26: {  	[bflag:$0x0] =	sbarrier.arrive $0xFFFF;
	(pc) =	sbr.rel @p0 .LBB2_1-.Ltmp1, $4  }
0x27: {  	[hbm:s8], [sflag:s6] =	dma.local [spmem:s10], $0x2710  }
0x28: {  	_ =	swait.ge [sflag:s11], $0x2710  }
0x29: {  	[sflag:s11] =	ssyncset.done $0x0  }
0x2a: {  	[sflag:s11] =	ssyncadd.s32 $0xFFFFD8F0  }
0x2b: {  	_ =	sfence.sel $0x180000  }
0x2c: {  	[bflag:$0x0] =	sbarrier.arrive $0xFFFF  }
0x2d: {  	p0 =	sne.s32 s1, $0x0;
	_ =	strace $0x90000047  }
0x2e: {  	s0 =	sadd.s32 @!p0 $0x100000, s0;
	[bflag:$0x2] =	sbarrier.arrive $0xFFFF  }
0x2f: {  	[sflag:s0] =	ssyncadd.tile.s32 @!p0 $0x1;
	_ =	shalt  }
.Lfunc_end2:
_tile_overlayer_lowered:
.L_overlay_start_2:
0x30: {  	(tag) =	ssettag $0x2  }
0x31: {  	s0 =	rddreg [dreg:$0x0];
	s2 =	stileid.u32  }
0x32: {  	s1 =	rddreg [dreg:$0x1];
	p0 =	sne.s32 s2, $0x0  }
0x33: {  	s3 =	rddreg [dreg:$0x2];
	[bflag:$0x3] =	sbarrier.arrive $0xFFFF;
	s2 =	simm.s32 @!p0 $0x1C01  }
0x34: {  	[timem:s3], [sflag:s2] =	dma.local @!p0 [hbm:s0], s1  }
0x35: {  	s0 =	simm.s32 @!p0 $0x1  }
0x36: {  	_ =	swait.ge @!p0 [sflag:s0], s1  }
0x37: {  	s1 =	ssub.s32 @!p0 $0x0, s1;
	[sflag:s0] =	ssyncset.done @!p0 $0x0  }
0x38: {  	[sflag:s0] =	ssyncadd.s32 @!p0 s1  }
0x39: {  	[bflag:$0x3] =	sbarrier.arrive $0xFFFF  }
0x3a: {  	_ =	shalt  }

</sc_bundles>
